<compile_context>
chip_gen: v7x
topology: tpu7x:2x2x1
jax: 0.10.2.dev20260603
libtpu: 0.0.44.dev20260713+nightly
codegen_flags: <defaults>
</compile_context>

<pallas_src>
import functools

import jax
import jax.numpy as jnp
from jax import lax
from jax.experimental import pallas as pl
from jax.experimental.pallas import tpu as pltpu
from jax.experimental.pallas import tpu_sc as plsc

N = 10000
E = 320000
D = 128

NC = 2
NS = 16
NW = NC * NS
CH = 64
NCH = 160
GRP = 16
NG = NCH // GRP

EPT = NCH * CH
E_PAD = EPT * NW
PAD_DST = N

NCHT = E_PAD // CH
K0 = 304
K1 = NCHT // NS - K0
NG0 = K0 // GRP
NG1 = K1 // GRP
NCH0T = NS * K0

NA = 10240
RPT = NA // NS

NP = NA
BLK = 512
GRID = NP // BLK

_mesh = plsc.VectorSubcoreMesh(core_axis_name="c", subcore_axis_name="s")


@functools.partial(
    pl.kernel,
    out_type=jax.ShapeDtypeStruct((NW, NA), jnp.float32),
    mesh=_mesh,
    scratch_types=[
        pltpu.VMEM((GRP, CH), jnp.int32),
        pltpu.VMEM((NA,), jnp.float32),
    ],
    compiler_params=pltpu.CompilerParams(needs_layout_passes=False),
)
def _deg_kernel(dst_hbm, degp_hbm, dst_v, deg_v):
    c = lax.axis_index("c")
    s = lax.axis_index("s")
    wid = c * NS + s

    zeros16 = jnp.zeros((16,), jnp.float32)

    def zero_body(i, carry):
        deg_v[pl.ds(pl.multiple_of(i * 16, 16), 16)] = zeros16
        return carry

    lax.fori_loop(0, NA // 16, zero_body, 0)

    ones16 = jnp.ones((16,), jnp.float32)

    def grp_body(g, carry):
        goff = pl.multiple_of(g * GRP, GRP)
        pltpu.sync_copy(dst_hbm.at[wid, pl.ds(goff, GRP)], dst_v)

        def acc_body(j, carry2):
            for i in range(CH // 16):
                idx = dst_v[j, pl.ds(i * 16, 16)]
                plsc.addupdate_scatter(deg_v, [idx], ones16)
            return carry2

        lax.fori_loop(0, GRP, acc_body, 0)
        return carry

    lax.fori_loop(0, NG, grp_body, 0)

    pltpu.sync_copy(deg_v, degp_hbm.at[wid])


def _matmul_body(x_ref, w_ref, h_ref):
    h_ref[...] = jnp.dot(x_ref[...], w_ref[...],
                         preferred_element_type=jnp.float32,
                         precision=lax.Precision.HIGHEST)


def _scale_body(h_ref, degp_ref, hs_ref):
    deg = jnp.sum(degp_ref[...], axis=0) + 1.0
    dinv = lax.rsqrt(deg)
    hs_ref[...] = h_ref[...] * dinv[:, None]


@functools.partial(
    pl.kernel,
    out_type=jax.ShapeDtypeStruct((NC, NA, D), jnp.float32),
    mesh=_mesh,
    scratch_types=[
        pltpu.VMEM((GRP * CH,), jnp.int32),
        pltpu.VMEM((GRP * CH,), jnp.int32),
        pltpu.VMEM((GRP, CH), jnp.int32),
        pltpu.VMEM((GRP, CH), jnp.int32),
        pltpu.VMEM((CH, D), jnp.float32),
        pltpu.VMEM((CH, D), jnp.float32),
        pltpu.VMEM_SHARED((NA, D), jnp.float32),
        pltpu.SemaphoreType.DMA,
        pltpu.SemaphoreType.DMA,
        pltpu.SemaphoreType.DMA,
        pltpu.SemaphoreType.DMA,
        pltpu.SemaphoreType.DMA,
        pltpu.SemaphoreType.DMA,
    ],
    compiler_params=pltpu.CompilerParams(needs_layout_passes=False),
)
def _scatter_kernel(hs_hbm, src_hbm, dst_hbm, accp_hbm,
                    srcA_v, srcB_v, dstA_v, dstB_v, rows0_v, rows1_v,
                    acc_sh, sem0, sem1, semA, semB, semD0, semD1):
    c = lax.axis_index("c")
    s = lax.axis_index("s")

    ng = jnp.where(c == 0, NG0, NG1)
    base = jnp.where(c == 0, s * K0, NCH0T + s * K1)

    zeros16 = jnp.zeros((16,), jnp.float32)

    def zbody(r, carry):
        for i in range(D // 16):
            rows0_v[r, pl.ds(i * 16, 16)] = zeros16
        return carry

    lax.fori_loop(0, CH, zbody, 0)
    for k in range(RPT // CH):
        pltpu.sync_copy(rows0_v, acc_sh.at[pl.ds(s * RPT + k * CH, CH)])
    plsc.subcore_barrier()

    def src_slab(g):
        off = pl.multiple_of((base + g * GRP) * CH, GRP * CH)
        return src_hbm.at[pl.ds(off, GRP * CH)]

    def dst_slab(g):
        off = pl.multiple_of(base + g * GRP, GRP)
        return dst_hbm.at[pl.ds(off, GRP)]

    def sidx(buf, j):
        return buf.at[pl.ds(pl.multiple_of(j * CH, CH), CH)]

    pltpu.async_copy(src_slab(0), srcA_v, semA)
    pltpu.async_copy(dst_slab(0), dstA_v, semA)
    pltpu.make_async_copy(src_slab(0), srcA_v, semA).wait()
    pltpu.make_async_copy(dst_slab(0), dstA_v, semA).wait()
    pltpu.async_copy(hs_hbm.at[sidx(srcA_v, 0)], rows0_v, sem0)
    pltpu.async_copy(hs_hbm.at[sidx(srcA_v, 1)], rows1_v, sem1)

    def do_group(g, cs_v, cd_v, ns_v, nd_v, nsem):
        @pl.when(g + 1 < ng)
        def _():
            pltpu.async_copy(src_slab(g + 1), ns_v, nsem)
            pltpu.async_copy(dst_slab(g + 1), nd_v, nsem)

        def pair_body(p, carry):
            j0 = p * 2
            pltpu.make_async_copy(
                hs_hbm.at[sidx(cs_v, j0)], rows0_v, sem0).wait()
            pltpu.async_copy(rows0_v, acc_sh.at[cd_v.at[j0]], semD0, add=True)

            pltpu.make_async_copy(
                hs_hbm.at[sidx(cs_v, j0 + 1)], rows1_v, sem1).wait()
            pltpu.async_copy(rows1_v, acc_sh.at[cd_v.at[j0 + 1]], semD1,
                             add=True)

            pltpu.make_async_copy(
                rows0_v, acc_sh.at[cd_v.at[j0]], semD0).wait()

            @pl.when(p < GRP // 2 - 1)
            def _():
                pltpu.async_copy(hs_hbm.at[sidx(cs_v, j0 + 2)], rows0_v, sem0)

            @pl.when(jnp.logical_and(p == GRP // 2 - 1, g + 1 < ng))
            def _():
                pltpu.make_async_copy(src_slab(g + 1), ns_v, nsem).wait()
                pltpu.make_async_copy(dst_slab(g + 1), nd_v, nsem).wait()
                pltpu.async_copy(hs_hbm.at[sidx(ns_v, 0)], rows0_v, sem0)

            pltpu.make_async_copy(
                rows1_v, acc_sh.at[cd_v.at[j0 + 1]], semD1).wait()

            @pl.when(p < GRP // 2 - 1)
            def _():
                pltpu.async_copy(hs_hbm.at[sidx(cs_v, j0 + 3)], rows1_v, sem1)

            @pl.when(jnp.logical_and(p == GRP // 2 - 1, g + 1 < ng))
            def _():
                pltpu.async_copy(hs_hbm.at[sidx(ns_v, 1)], rows1_v, sem1)

            return carry

        lax.fori_loop(0, GRP // 2, pair_body, 0)

    def grp_body(g, carry):
        @pl.when(g % 2 == 0)
        def _():
            do_group(g, srcA_v, dstA_v, srcB_v, dstB_v, semB)

        @pl.when(g % 2 == 1)
        def _():
            do_group(g, srcB_v, dstB_v, srcA_v, dstA_v, semA)

        return carry

    lax.fori_loop(0, ng, grp_body, 0)

    plsc.subcore_barrier()
    pltpu.sync_copy(acc_sh.at[pl.ds(s * RPT, RPT)],
                    accp_hbm.at[c, pl.ds(s * RPT, RPT)])


def _agg_body(acc0_ref, acc1_ref, hs_ref, degp_ref, b_ref, agg_ref, st_ref):
    i = pl.program_id(0)

    @pl.when(i == 0)
    def _():
        st_ref[...] = jnp.zeros_like(st_ref)

    deg = jnp.sum(degp_ref[...], axis=0) + 1.0
    dinv = lax.rsqrt(deg)
    a = (acc0_ref[...] + acc1_ref[...] + hs_ref[...]) * dinv[:, None]
    a = a + b_ref[...]
    agg_ref[...] = a
    rid = lax.broadcasted_iota(jnp.int32, (BLK, 1), 0) + i * BLK
    a_m = jnp.where(rid < N, a, 0.0)
    st_ref[0:1, :] += jnp.sum(a_m, axis=0, keepdims=True)
    st_ref[1:2, :] += jnp.sum(a_m * a_m, axis=0, keepdims=True)


def _bn_body(agg_ref, x_ref, st_ref, g_ref, bt_ref, y_ref):
    inv_n = jnp.float32(1.0 / N)
    mean = st_ref[0:1, :] * inv_n
    ex2 = st_ref[1:2, :] * inv_n
    var = ex2 - mean * mean
    rstd = lax.rsqrt(var + 1e-5)
    bn = g_ref[...] * (agg_ref[...] - mean) * rstd + bt_ref[...]
    y_ref[...] = jnp.maximum(jnp.maximum(bn, 0.0) + x_ref[...], 0.0)


def kernel(x, edge_index, W, b, gamma, beta):
    src = edge_index[0].astype(jnp.int32)
    dst = edge_index[1].astype(jnp.int32)
    pad = E_PAD - E
    src1 = jnp.concatenate([src, jnp.zeros((pad,), jnp.int32)])
    dst1 = jnp.concatenate([dst, jnp.full((pad,), PAD_DST, jnp.int32)])
    dst2 = dst1.reshape(NCHT, CH)
    dst3 = dst1.reshape(NW, NCH, CH)
    x_p = jnp.concatenate([x, jnp.zeros((NP - N, D), jnp.float32)])

    degp = _deg_kernel(dst3)

    h = pl.pallas_call(
        _matmul_body,
        grid=(GRID,),
        in_specs=[
            pl.BlockSpec((BLK, D), lambda i: (i, 0)),
            pl.BlockSpec((D, D), lambda i: (0, 0)),
        ],
        out_specs=pl.BlockSpec((BLK, D), lambda i: (i, 0)),
        out_shape=jax.ShapeDtypeStruct((NP, D), jnp.float32),
    )(x_p, W)

    hs = pl.pallas_call(
        _scale_body,
        grid=(GRID,),
        in_specs=[
            pl.BlockSpec((BLK, D), lambda i: (i, 0)),
            pl.BlockSpec((NW, BLK), lambda i: (0, i)),
        ],
        out_specs=pl.BlockSpec((BLK, D), lambda i: (i, 0)),
        out_shape=jax.ShapeDtypeStruct((NP, D), jnp.float32),
    )(h, degp)

    accp = _scatter_kernel(hs, src1, dst2)

    agg, stats = pl.pallas_call(
        _agg_body,
        grid=(GRID,),
        in_specs=[
            pl.BlockSpec((BLK, D), lambda i: (i, 0)),
            pl.BlockSpec((BLK, D), lambda i: (i, 0)),
            pl.BlockSpec((BLK, D), lambda i: (i, 0)),
            pl.BlockSpec((NW, BLK), lambda i: (0, i)),
            pl.BlockSpec((1, D), lambda i: (0, 0)),
        ],
        out_specs=[
            pl.BlockSpec((BLK, D), lambda i: (i, 0)),
            pl.BlockSpec((2, D), lambda i: (0, 0)),
        ],
        out_shape=[
            jax.ShapeDtypeStruct((NP, D), jnp.float32),
            jax.ShapeDtypeStruct((2, D), jnp.float32),
        ],
    )(accp[0], accp[1], hs, degp, b.reshape(1, D))

    y = pl.pallas_call(
        _bn_body,
        grid=(GRID,),
        in_specs=[
            pl.BlockSpec((BLK, D), lambda i: (i, 0)),
            pl.BlockSpec((BLK, D), lambda i: (i, 0)),
            pl.BlockSpec((2, D), lambda i: (0, 0)),
            pl.BlockSpec((1, D), lambda i: (0, 0)),
            pl.BlockSpec((1, D), lambda i: (0, 0)),
        ],
        out_specs=pl.BlockSpec((BLK, D), lambda i: (i, 0)),
        out_shape=jax.ShapeDtypeStruct((NP, D), jnp.float32),
    )(agg, x_p, stats, gamma.reshape(1, D), beta.reshape(1, D))

    return y[:N]

# --- scband reference (transcript-rebuilt; emitter-appended) ---
"""Pipeline reference for scband-residual-block-4277787427661 (READ-ONLY COPY).

The authoritative reference and input builder live on the scoring server;
editing this copy changes nothing except your own understanding.
"""

import jax, jax.numpy as jnp
import numpy as np

N_NODES = 10000
N_EDGES = 320000
D_IN = 128
D_OUT = 128


def setup_inputs(seed: int = 0) -> dict:
    key = jax.random.key(seed)
    k_x, k_e, k_w, k_b, k_g, k_beta = jax.random.split(key, 6)
    x = jax.random.normal(k_x, (N_NODES, D_IN), dtype=jnp.float32)
    edge_index = jax.random.randint(k_e, (2, N_EDGES), 0, N_NODES, dtype=jnp.int64)
    # GCNConv linear weight (glorot) and bias
    limit = np.sqrt(6.0 / (D_IN + D_OUT))
    W = jax.random.uniform(k_w, (D_IN, D_OUT), dtype=jnp.float32, minval=-limit, maxval=limit)
    b = jnp.zeros((D_OUT,), dtype=jnp.float32)
    # BatchNorm1d affine params
    gamma = jnp.ones((D_OUT,), dtype=jnp.float32)
    beta = jnp.zeros((D_OUT,), dtype=jnp.float32)
    return {"x": x, "edge_index": edge_index, "W": W, "b": b, "gamma": gamma, "beta": beta}


def reference(x, edge_index, W, b, gamma, beta):
    N = x.shape[0]
    # GCNConv with added self-loops and symmetric normalization
    loop = jnp.arange(N, dtype=edge_index.dtype)
    src = jnp.concatenate([edge_index[0], loop])
    dst = jnp.concatenate([edge_index[1], loop])
    h = x @ W  # linear transform first (equivalent math)
    ones = jnp.ones(src.shape[0], dtype=h.dtype)
    deg = jax.ops.segment_sum(ones, dst, num_segments=N)
    dinv = jnp.where(deg > 0, 1.0 / jnp.sqrt(deg), 0.0)
    norm = dinv[src] * dinv[dst]
    msgs = h[src] * norm[:, None]
    agg = jax.ops.segment_sum(msgs, dst, num_segments=N) + b
    # BatchNorm1d (training-mode batch statistics, eps=1e-5)
    mean = jnp.mean(agg, axis=0)
    var = jnp.var(agg, axis=0)
    xhat = (agg - mean) / jnp.sqrt(var + 1e-5)
    bn = gamma * xhat + beta
    act = jax.nn.relu(bn)
    # dropout is identity in deterministic/eval reference
    residual = x  # in_channels == out_channels -> Identity shortcut
    return jax.nn.relu(act + residual)

if __name__ == "__main__":
    import jax
    _d = setup_inputs()
    print(jax.jit(kernel)(*tuple(_d.values())))

</pallas_src>

<mosaic_0001>
#map = affine_map<(d0, d1) -> (0, 0, 0)>
#map1 = affine_map<(d0, d1) -> (0, 0)>
module attributes {stable_mosaic.version = 14 : i64} {
  func.func @_deg_kernel(%arg0: i32, %arg1: i32, %arg2: memref<32x160x64xi32, #tpu.memory_space<hbm>>, %arg3: memref<32x10240xf32, #tpu.memory_space<hbm>>, %arg4: memref<16x64xi32, #tpu.memory_space<vmem>>, %arg5: memref<10240xf32, #tpu.memory_space<vmem>>) attributes {dimension_semantics = [#tpu.dimension_semantics<core_parallel>, #tpu.dimension_semantics<subcore_parallel>], iteration_bounds = array<i64: 2, 16>, scalar_prefetch = 0 : i64, scratch_operands = 2 : i64, tpu.core_type = #tpu.core_type<sc_vector_subcore>, window_params = [{transform_indices = #map}, {transform_indices = #map1}]} {
    %mul3A = arith.constant 16 : i32
    %mul3A_0 = arith.muli %arg0, %mul3A : i32
    %add3A = arith.addi %mul3A_0, %arg1 : i32
    %broadcast_in_dim3A = arith.constant 0.000000e+00 : f32
    %broadcast_in_dim3A_1 = vector.broadcast %broadcast_in_dim3A : f32 to vector<16xf32>
    %scan3A = arith.constant 0 : i32
    %scan3A_2 = arith.constant 0 : i32
    %scan3A_3 = arith.constant 640 : i32
    %scan3A_4 = arith.addi %scan3A_2, %scan3A_3 : i32
    %scan3A_5 = arith.constant 1 : i32
    scf.for %scan3A_15 = %scan3A_2 to %scan3A_4 step %scan3A_5  : i32 {
      %mul3A_16 = arith.constant 16 : i32
      %mul3A_17 = arith.muli %scan3A_15, %mul3A_16 : i32
      %multiple_of3A = tpu.assume_multiple %mul3A_17, 16 : i32
      %swap3A = arith.index_cast %multiple_of3A : i32 to index
      %swap3A_18 = tpu.vector_load %arg5[%swap3A] {strides = array<i32>} : memref<10240xf32, #tpu.memory_space<vmem>>, vector<16xf32>,
      tpu.vector_store %arg5[%swap3A], %broadcast_in_dim3A_1 {strides = array<i32>} : memref<10240xf32, #tpu.memory_space<vmem>>, vector<16xf32>,
    }
    %scan3A_6 = arith.constant 640 : i32
    %broadcast_in_dim3A_7 = arith.constant 1.000000e+00 : f32
    %broadcast_in_dim3A_8 = vector.broadcast %broadcast_in_dim3A_7 : f32 to vector<16xf32>
    %scan3A_9 = arith.constant 0 : i32
    %scan3A_10 = arith.constant 0 : i32
    %scan3A_11 = arith.constant 10 : i32
    %scan3A_12 = arith.addi %scan3A_10, %scan3A_11 : i32
    %scan3A_13 = arith.constant 1 : i32
    scf.for %scan3A_15 = %scan3A_10 to %scan3A_12 step %scan3A_13  : i32 {
      %mul3A_16 = arith.constant 16 : i32
      %mul3A_17 = arith.muli %scan3A_15, %mul3A_16 : i32
      %multiple_of3A = tpu.assume_multiple %mul3A_17, 16 : i32
      "tpu.region"() ({
        %run_scoped3A = tpu.sem_alloc : memref<!tpu.dma_semaphore, #tpu.memory_space<semaphore_mem>>
        %dma_start3A = arith.constant 0 : i32
        %dma_start3A_24 = tpu.memref_slice %arg2[%add3A, %multiple_of3A, %dma_start3A] : memref<32x160x64xi32, #tpu.memory_space<hbm>> -> memref<1x16x64xi32, #tpu.memory_space<hbm>>
        %dma_start3A_25 = tpu.memref_squeeze %dma_start3A_24 : memref<1x16x64xi32, #tpu.memory_space<hbm>> -> memref<16x64xi32, #tpu.memory_space<hbm>>
        %dma_start3A_26 = arith.constant 0 : i32
        %dma_start3A_27 = tpu.memref_slice %arg2[%add3A, %multiple_of3A, %dma_start3A_26] : memref<32x160x64xi32, #tpu.memory_space<hbm>> -> memref<1x16x64xi32, #tpu.memory_space<hbm>>
        %dma_start3A_28 = tpu.memref_squeeze %dma_start3A_27 : memref<1x16x64xi32, #tpu.memory_space<hbm>> -> memref<16x64xi32, #tpu.memory_space<hbm>>
        tpu.enqueue_dma source(%dma_start3A_28 : memref<16x64xi32, #tpu.memory_space<hbm>>) target(%arg4 : memref<16x64xi32, #tpu.memory_space<vmem>>) target_semaphore(%run_scoped3A : memref<!tpu.dma_semaphore, #tpu.memory_space<semaphore_mem>>)
        %dma_wait3A = arith.constant 0 : i32
        %dma_wait3A_29 = tpu.memref_slice %arg2[%add3A, %multiple_of3A, %dma_wait3A] : memref<32x160x64xi32, #tpu.memory_space<hbm>> -> memref<1x16x64xi32, #tpu.memory_space<hbm>>
        %dma_wait3A_30 = tpu.memref_squeeze %dma_wait3A_29 : memref<1x16x64xi32, #tpu.memory_space<hbm>> -> memref<16x64xi32, #tpu.memory_space<hbm>>
        %dma_wait3A_31 = arith.constant 0 : i32
        %dma_wait3A_32 = tpu.memref_slice %arg2[%add3A, %multiple_of3A, %dma_wait3A_31] : memref<32x160x64xi32, #tpu.memory_space<hbm>> -> memref<1x16x64xi32, #tpu.memory_space<hbm>>
        %dma_wait3A_33 = tpu.memref_squeeze %dma_wait3A_32 : memref<1x16x64xi32, #tpu.memory_space<hbm>> -> memref<16x64xi32, #tpu.memory_space<hbm>>
        tpu.wait_dma2 semaphore(%run_scoped3A : memref<!tpu.dma_semaphore, #tpu.memory_space<semaphore_mem>>) src(%dma_wait3A_33 : memref<16x64xi32, #tpu.memory_space<hbm>>) dst(%arg4 : memref<16x64xi32, #tpu.memory_space<vmem>>)
        tpu.yield
      }) : () -> ()
      %scan3A_18 = arith.constant 0 : i32
      %scan3A_19 = arith.constant 0 : i32
      %scan3A_20 = arith.constant 16 : i32
      %scan3A_21 = arith.addi %scan3A_19, %scan3A_20 : i32
      %scan3A_22 = arith.constant 1 : i32
      scf.for %scan3A_24 = %scan3A_19 to %scan3A_21 step %scan3A_22  : i32 {
        %get3A = arith.index_cast %scan3A_24 : i32 to index
        %get3A_25 = arith.constant 0 : index
        %get3A_26 = tpu.vector_load %arg4[%get3A, %get3A_25] {strides = array<i32>} : memref<16x64xi32, #tpu.memory_space<vmem>>, vector<16xi32>,
        tpu.vector_store_idx %arg5[%get3A_26], %broadcast_in_dim3A_8 {add = true} : memref<10240xf32, #tpu.memory_space<vmem>>[vector<16xi32>], vector<16xf32>,
        %get3A_27 = arith.index_cast %scan3A_24 : i32 to index
        %get3A_28 = arith.constant 16 : index
        %get3A_29 = tpu.vector_load %arg4[%get3A_27, %get3A_28] {strides = array<i32>} : memref<16x64xi32, #tpu.memory_space<vmem>>, vector<16xi32>,
        tpu.vector_store_idx %arg5[%get3A_29], %broadcast_in_dim3A_8 {add = true} : memref<10240xf32, #tpu.memory_space<vmem>>[vector<16xi32>], vector<16xf32>,
        %get3A_30 = arith.index_cast %scan3A_24 : i32 to index
        %get3A_31 = arith.constant 32 : index
        %get3A_32 = tpu.vector_load %arg4[%get3A_30, %get3A_31] {strides = array<i32>} : memref<16x64xi32, #tpu.memory_space<vmem>>, vector<16xi32>,
        tpu.vector_store_idx %arg5[%get3A_32], %broadcast_in_dim3A_8 {add = true} : memref<10240xf32, #tpu.memory_space<vmem>>[vector<16xi32>], vector<16xf32>,
        %get3A_33 = arith.index_cast %scan3A_24 : i32 to index
        %get3A_34 = arith.constant 48 : index
        %get3A_35 = tpu.vector_load %arg4[%get3A_33, %get3A_34] {strides = array<i32>} : memref<16x64xi32, #tpu.memory_space<vmem>>, vector<16xi32>,
        tpu.vector_store_idx %arg5[%get3A_35], %broadcast_in_dim3A_8 {add = true} : memref<10240xf32, #tpu.memory_space<vmem>>[vector<16xi32>], vector<16xf32>,
      }
      %scan3A_23 = arith.constant 16 : i32
    }
    %scan3A_14 = arith.constant 10 : i32
    "tpu.region"() ({
      %run_scoped3A = tpu.sem_alloc : memref<!tpu.dma_semaphore, #tpu.memory_space<semaphore_mem>>
      %dma_start3A = arith.constant 0 : i32
      %dma_start3A_15 = tpu.memref_slice %arg3[%add3A, %dma_start3A] : memref<32x10240xf32, #tpu.memory_space<hbm>> -> memref<1x10240xf32, #tpu.memory_space<hbm>>
      %dma_start3A_16 = tpu.memref_squeeze %dma_start3A_15 : memref<1x10240xf32, #tpu.memory_space<hbm>> -> memref<10240xf32, #tpu.memory_space<hbm>>
      %dma_start3A_17 = arith.constant 0 : i32
      %dma_start3A_18 = tpu.memref_slice %arg3[%add3A, %dma_start3A_17] : memref<32x10240xf32, #tpu.memory_space<hbm>> -> memref<1x10240xf32, #tpu.memory_space<hbm>>
      %dma_start3A_19 = tpu.memref_squeeze %dma_start3A_18 : memref<1x10240xf32, #tpu.memory_space<hbm>> -> memref<10240xf32, #tpu.memory_space<hbm>>
      tpu.enqueue_dma source(%arg5 : memref<10240xf32, #tpu.memory_space<vmem>>) target(%dma_start3A_19 : memref<10240xf32, #tpu.memory_space<hbm>>) target_semaphore(%run_scoped3A : memref<!tpu.dma_semaphore, #tpu.memory_space<semaphore_mem>>)
      %dma_wait3A = arith.constant 0 : i32
      %dma_wait3A_20 = tpu.memref_slice %arg3[%add3A, %dma_wait3A] : memref<32x10240xf32, #tpu.memory_space<hbm>> -> memref<1x10240xf32, #tpu.memory_space<hbm>>
      %dma_wait3A_21 = tpu.memref_squeeze %dma_wait3A_20 : memref<1x10240xf32, #tpu.memory_space<hbm>> -> memref<10240xf32, #tpu.memory_space<hbm>>
      %dma_wait3A_22 = arith.constant 0 : i32
      %dma_wait3A_23 = tpu.memref_slice %arg3[%add3A, %dma_wait3A_22] : memref<32x10240xf32, #tpu.memory_space<hbm>> -> memref<1x10240xf32, #tpu.memory_space<hbm>>
      %dma_wait3A_24 = tpu.memref_squeeze %dma_wait3A_23 : memref<1x10240xf32, #tpu.memory_space<hbm>> -> memref<10240xf32, #tpu.memory_space<hbm>>
      tpu.wait_dma2 semaphore(%run_scoped3A : memref<!tpu.dma_semaphore, #tpu.memory_space<semaphore_mem>>) src(%arg5 : memref<10240xf32, #tpu.memory_space<vmem>>) dst(%dma_wait3A_24 : memref<10240xf32, #tpu.memory_space<hbm>>)
      tpu.yield
    }) : () -> ()
    return
  }
}

#map = affine_map<(d0, d1) -> (0, 0)>
#map1 = affine_map<(d0, d1) -> (0)>
#map2 = affine_map<(d0, d1) -> (0, 0, 0)>
module attributes {stable_mosaic.version = 14 : i64} {
  func.func @_scatter_kernel(%arg0: i32, %arg1: i32, %arg2: memref<10240x128xf32, #tpu.memory_space<hbm>>, %arg3: memref<327680xi32, #tpu.memory_space<hbm>>, %arg4: memref<5120x64xi32, #tpu.memory_space<hbm>>, %arg5: memref<2x10240x128xf32, #tpu.memory_space<hbm>>, %arg6: memref<1024xi32, #tpu.memory_space<vmem>>, %arg7: memref<1024xi32, #tpu.memory_space<vmem>>, %arg8: memref<16x64xi32, #tpu.memory_space<vmem>>, %arg9: memref<16x64xi32, #tpu.memory_space<vmem>>, %arg10: memref<64x128xf32, #tpu.memory_space<vmem>>, %arg11: memref<64x128xf32, #tpu.memory_space<vmem>>, %arg12: memref<10240x128xf32, #tpu.memory_space<vmem_shared>>, %arg13: memref<!tpu.dma_semaphore, #tpu.memory_space<semaphore_mem>>, %arg14: memref<!tpu.dma_semaphore, #tpu.memory_space<semaphore_mem>>, %arg15: memref<!tpu.dma_semaphore, #tpu.memory_space<semaphore_mem>>, %arg16: memref<!tpu.dma_semaphore, #tpu.memory_space<semaphore_mem>>, %arg17: memref<!tpu.dma_semaphore, #tpu.memory_space<semaphore_mem>>, %arg18: memref<!tpu.dma_semaphore, #tpu.memory_space<semaphore_mem>>) attributes {dimension_semantics = [#tpu.dimension_semantics<core_parallel>, #tpu.dimension_semantics<subcore_parallel>], iteration_bounds = array<i64: 2, 16>, scalar_prefetch = 0 : i64, scratch_operands = 13 : i64, tpu.core_type = #tpu.core_type<sc_vector_subcore>, window_params = [{transform_indices = #map}, {transform_indices = #map1}, {transform_indices = #map}, {transform_indices = #map2}]} {
    %eq3A = arith.constant 0 : i32
    %eq3A_0 = arith.cmpi eq, %arg0, %eq3A : i32
    %jit3A = arith.constant 19 : i32
    %jit3A_1 = arith.constant 1 : i32
    %select_n3A = arith.select %eq3A_0, %jit3A, %jit3A_1 : i32
    %eq3A_2 = arith.constant 0 : i32
    %eq3A_3 = arith.cmpi eq, %arg0, %eq3A_2 : i32
    %mul3A = arith.constant 304 : i32
    %mul3A_4 = arith.muli %arg1, %mul3A : i32
    %mul3A_5 = arith.constant 16 : i32
    %mul3A_6 = arith.muli %arg1, %mul3A_5 : i32
    %add3A = arith.constant 4864 : i32
    %add3A_7 = arith.addi %add3A, %mul3A_6 : i32
    %select_n3A_8 = arith.select %eq3A_3, %mul3A_4, %add3A_7 : i32
    %broadcast_in_dim3A = arith.constant 0.000000e+00 : f32
    %broadcast_in_dim3A_9 = vector.broadcast %broadcast_in_dim3A : f32 to vector<16xf32>
    %scan3A = arith.constant 0 : i32
    %scan3A_10 = arith.constant 0 : i32
    %scan3A_11 = arith.constant 64 : i32
    %scan3A_12 = arith.addi %scan3A_10, %scan3A_11 : i32
    %scan3A_13 = arith.constant 1 : i32
    scf.for %scan3A_106 = %scan3A_10 to %scan3A_12 step %scan3A_13  : i32 {
      %swap3A = arith.index_cast %scan3A_106 : i32 to index
      %swap3A_107 = arith.constant 0 : index
      %swap3A_108 = tpu.vector_load %arg10[%swap3A, %swap3A_107] {strides = array<i32>} : memref<64x128xf32, #tpu.memory_space<vmem>>, vector<16xf32>,
      tpu.vector_store %arg10[%swap3A, %swap3A_107], %broadcast_in_dim3A_9 {strides = array<i32>} : memref<64x128xf32, #tpu.memory_space<vmem>>, vector<16xf32>,
      %swap3A_109 = arith.index_cast %scan3A_106 : i32 to index
      %swap3A_110 = arith.constant 16 : index
      %swap3A_111 = tpu.vector_load %arg10[%swap3A_109, %swap3A_110] {strides = array<i32>} : memref<64x128xf32, #tpu.memory_space<vmem>>, vector<16xf32>,
      tpu.vector_store %arg10[%swap3A_109, %swap3A_110], %broadcast_in_dim3A_9 {strides = array<i32>} : memref<64x128xf32, #tpu.memory_space<vmem>>, vector<16xf32>,
      %swap3A_112 = arith.index_cast %scan3A_106 : i32 to index
      %swap3A_113 = arith.constant 32 : index
      %swap3A_114 = tpu.vector_load %arg10[%swap3A_112, %swap3A_113] {strides = array<i32>} : memref<64x128xf32, #tpu.memory_space<vmem>>, vector<16xf32>,
      tpu.vector_store %arg10[%swap3A_112, %swap3A_113], %broadcast_in_dim3A_9 {strides = array<i32>} : memref<64x128xf32, #tpu.memory_space<vmem>>, vector<16xf32>,
      %swap3A_115 = arith.index_cast %scan3A_106 : i32 to index
      %swap3A_116 = arith.constant 48 : index
      %swap3A_117 = tpu.vector_load %arg10[%swap3A_115, %swap3A_116] {strides = array<i32>} : memref<64x128xf32, #tpu.memory_space<vmem>>, vector<16xf32>,
      tpu.vector_store %arg10[%swap3A_115, %swap3A_116], %broadcast_in_dim3A_9 {strides = array<i32>} : memref<64x128xf32, #tpu.memory_space<vmem>>, vector<16xf32>,
      %swap3A_118 = arith.index_cast %scan3A_106 : i32 to index
      %swap3A_119 = arith.constant 64 : index
      %swap3A_120 = tpu.vector_load %arg10[%swap3A_118, %swap3A_119] {strides = array<i32>} : memref<64x128xf32, #tpu.memory_space<vmem>>, vector<16xf32>,
      tpu.vector_store %arg10[%swap3A_118, %swap3A_119], %broadcast_in_dim3A_9 {strides = array<i32>} : memref<64x128xf32, #tpu.memory_space<vmem>>, vector<16xf32>,
      %swap3A_121 = arith.index_cast %scan3A_106 : i32 to index
      %swap3A_122 = arith.constant 80 : index
      %swap3A_123 = tpu.vector_load %arg10[%swap3A_121, %swap3A_122] {strides = array<i32>} : memref<64x128xf32, #tpu.memory_space<vmem>>, vector<16xf32>,
      tpu.vector_store %arg10[%swap3A_121, %swap3A_122], %broadcast_in_dim3A_9 {strides = array<i32>} : memref<64x128xf32, #tpu.memory_space<vmem>>, vector<16xf32>,
      %swap3A_124 = arith.index_cast %scan3A_106 : i32 to index
      %swap3A_125 = arith.constant 96 : index
      %swap3A_126 = tpu.vector_load %arg10[%swap3A_124, %swap3A_125] {strides = array<i32>} : memref<64x128xf32, #tpu.memory_space<vmem>>, vector<16xf32>,
      tpu.vector_store %arg10[%swap3A_124, %swap3A_125], %broadcast_in_dim3A_9 {strides = array<i32>} : memref<64x128xf32, #tpu.memory_space<vmem>>, vector<16xf32>,
      %swap3A_127 = arith.index_cast %scan3A_106 : i32 to index
      %swap3A_128 = arith.constant 112 : index
      %swap3A_129 = tpu.vector_load %arg10[%swap3A_127, %swap3A_128] {strides = array<i32>} : memref<64x128xf32, #tpu.memory_space<vmem>>, vector<16xf32>,
      tpu.vector_store %arg10[%swap3A_127, %swap3A_128], %broadcast_in_dim3A_9 {strides = array<i32>} : memref<64x128xf32, #tpu.memory_space<vmem>>, vector<16xf32>,
    }
    %scan3A_14 = arith.constant 64 : i32
    %mul3A_15 = arith.constant 640 : i32
    %mul3A_16 = arith.muli %arg1, %mul3A_15 : i32
    %add3A_17 = arith.constant 0 : i32
    %add3A_18 = arith.addi %mul3A_16, %add3A_17 : i32
    "tpu.region"() ({
      %run_scoped3A = tpu.sem_alloc : memref<!tpu.dma_semaphore, #tpu.memory_space<semaphore_mem>>
      %dma_start3A_106 = arith.constant 0 : i32
      %dma_start3A_107 = tpu.memref_slice %arg12[%add3A_18, %dma_start3A_106] : memref<10240x128xf32, #tpu.memory_space<vmem_shared>> -> memref<64x128xf32, #tpu.memory_space<vmem_shared>>
      %dma_start3A_108 = arith.constant 0 : i32
      %dma_start3A_109 = tpu.memref_slice %arg12[%add3A_18, %dma_start3A_108] : memref<10240x128xf32, #tpu.memory_space<vmem_shared>> -> memref<64x128xf32, #tpu.memory_space<vmem_shared>>
      tpu.enqueue_dma source(%arg10 : memref<64x128xf32, #tpu.memory_space<vmem>>) target(%dma_start3A_109 : memref<64x128xf32, #tpu.memory_space<vmem_shared>>) target_semaphore(%run_scoped3A : memref<!tpu.dma_semaphore, #tpu.memory_space<semaphore_mem>>)
      %dma_wait3A_110 = arith.constant 0 : i32
      %dma_wait3A_111 = tpu.memref_slice %arg12[%add3A_18, %dma_wait3A_110] : memref<10240x128xf32, #tpu.memory_space<vmem_shared>> -> memref<64x128xf32, #tpu.memory_space<vmem_shared>>
      %dma_wait3A_112 = arith.constant 0 : i32
      %dma_wait3A_113 = tpu.memref_slice %arg12[%add3A_18, %dma_wait3A_112] : memref<10240x128xf32, #tpu.memory_space<vmem_shared>> -> memref<64x128xf32, #tpu.memory_space<vmem_shared>>
      tpu.wait_dma2 semaphore(%run_scoped3A : memref<!tpu.dma_semaphore, #tpu.memory_space<semaphore_mem>>) src(%arg10 : memref<64x128xf32, #tpu.memory_space<vmem>>) dst(%dma_wait3A_113 : memref<64x128xf32, #tpu.memory_space<vmem_shared>>)
      tpu.yield
    }) : () -> ()
    %mul3A_19 = arith.constant 640 : i32
    %mul3A_20 = arith.muli %arg1, %mul3A_19 : i32
    %add3A_21 = arith.constant 64 : i32
    %add3A_22 = arith.addi %mul3A_20, %add3A_21 : i32
    "tpu.region"() ({
      %run_scoped3A = tpu.sem_alloc : memref<!tpu.dma_semaphore, #tpu.memory_space<semaphore_mem>>
      %dma_start3A_106 = arith.constant 0 : i32
      %dma_start3A_107 = tpu.memref_slice %arg12[%add3A_22, %dma_start3A_106] : memref<10240x128xf32, #tpu.memory_space<vmem_shared>> -> memref<64x128xf32, #tpu.memory_space<vmem_shared>>
      %dma_start3A_108 = arith.constant 0 : i32
      %dma_start3A_109 = tpu.memref_slice %arg12[%add3A_22, %dma_start3A_108] : memref<10240x128xf32, #tpu.memory_space<vmem_shared>> -> memref<64x128xf32, #tpu.memory_space<vmem_shared>>
      tpu.enqueue_dma source(%arg10 : memref<64x128xf32, #tpu.memory_space<vmem>>) target(%dma_start3A_109 : memref<64x128xf32, #tpu.memory_space<vmem_shared>>) target_semaphore(%run_scoped3A : memref<!tpu.dma_semaphore, #tpu.memory_space<semaphore_mem>>)
      %dma_wait3A_110 = arith.constant 0 : i32
      %dma_wait3A_111 = tpu.memref_slice %arg12[%add3A_22, %dma_wait3A_110] : memref<10240x128xf32, #tpu.memory_space<vmem_shared>> -> memref<64x128xf32, #tpu.memory_space<vmem_shared>>
      %dma_wait3A_112 = arith.constant 0 : i32
      %dma_wait3A_113 = tpu.memref_slice %arg12[%add3A_22, %dma_wait3A_112] : memref<10240x128xf32, #tpu.memory_space<vmem_shared>> -> memref<64x128xf32, #tpu.memory_space<vmem_shared>>
      tpu.wait_dma2 semaphore(%run_scoped3A : memref<!tpu.dma_semaphore, #tpu.memory_space<semaphore_mem>>) src(%arg10 : memref<64x128xf32, #tpu.memory_space<vmem>>) dst(%dma_wait3A_113 : memref<64x128xf32, #tpu.memory_space<vmem_shared>>)
      tpu.yield
    }) : () -> ()
    %mul3A_23 = arith.constant 640 : i32
    %mul3A_24 = arith.muli %arg1, %mul3A_23 : i32
    %add3A_25 = arith.constant 128 : i32
    %add3A_26 = arith.addi %mul3A_24, %add3A_25 : i32
    "tpu.region"() ({
      %run_scoped3A = tpu.sem_alloc : memref<!tpu.dma_semaphore, #tpu.memory_space<semaphore_mem>>
      %dma_start3A_106 = arith.constant 0 : i32
      %dma_start3A_107 = tpu.memref_slice %arg12[%add3A_26, %dma_start3A_106] : memref<10240x128xf32, #tpu.memory_space<vmem_shared>> -> memref<64x128xf32, #tpu.memory_space<vmem_shared>>
      %dma_start3A_108 = arith.constant 0 : i32
      %dma_start3A_109 = tpu.memref_slice %arg12[%add3A_26, %dma_start3A_108] : memref<10240x128xf32, #tpu.memory_space<vmem_shared>> -> memref<64x128xf32, #tpu.memory_space<vmem_shared>>
      tpu.enqueue_dma source(%arg10 : memref<64x128xf32, #tpu.memory_space<vmem>>) target(%dma_start3A_109 : memref<64x128xf32, #tpu.memory_space<vmem_shared>>) target_semaphore(%run_scoped3A : memref<!tpu.dma_semaphore, #tpu.memory_space<semaphore_mem>>)
      %dma_wait3A_110 = arith.constant 0 : i32
      %dma_wait3A_111 = tpu.memref_slice %arg12[%add3A_26, %dma_wait3A_110] : memref<10240x128xf32, #tpu.memory_space<vmem_shared>> -> memref<64x128xf32, #tpu.memory_space<vmem_shared>>
      %dma_wait3A_112 = arith.constant 0 : i32
      %dma_wait3A_113 = tpu.memref_slice %arg12[%add3A_26, %dma_wait3A_112] : memref<10240x128xf32, #tpu.memory_space<vmem_shared>> -> memref<64x128xf32, #tpu.memory_space<vmem_shared>>
      tpu.wait_dma2 semaphore(%run_scoped3A : memref<!tpu.dma_semaphore, #tpu.memory_space<semaphore_mem>>) src(%arg10 : memref<64x128xf32, #tpu.memory_space<vmem>>) dst(%dma_wait3A_113 : memref<64x128xf32, #tpu.memory_space<vmem_shared>>)
      tpu.yield
    }) : () -> ()
    %mul3A_27 = arith.constant 640 : i32
    %mul3A_28 = arith.muli %arg1, %mul3A_27 : i32
    %add3A_29 = arith.constant 192 : i32
    %add3A_30 = arith.addi %mul3A_28, %add3A_29 : i32
    "tpu.region"() ({
      %run_scoped3A = tpu.sem_alloc : memref<!tpu.dma_semaphore, #tpu.memory_space<semaphore_mem>>
      %dma_start3A_106 = arith.constant 0 : i32
      %dma_start3A_107 = tpu.memref_slice %arg12[%add3A_30, %dma_start3A_106] : memref<10240x128xf32, #tpu.memory_space<vmem_shared>> -> memref<64x128xf32, #tpu.memory_space<vmem_shared>>
      %dma_start3A_108 = arith.constant 0 : i32
      %dma_start3A_109 = tpu.memref_slice %arg12[%add3A_30, %dma_start3A_108] : memref<10240x128xf32, #tpu.memory_space<vmem_shared>> -> memref<64x128xf32, #tpu.memory_space<vmem_shared>>
      tpu.enqueue_dma source(%arg10 : memref<64x128xf32, #tpu.memory_space<vmem>>) target(%dma_start3A_109 : memref<64x128xf32, #tpu.memory_space<vmem_shared>>) target_semaphore(%run_scoped3A : memref<!tpu.dma_semaphore, #tpu.memory_space<semaphore_mem>>)
      %dma_wait3A_110 = arith.constant 0 : i32
      %dma_wait3A_111 = tpu.memref_slice %arg12[%add3A_30, %dma_wait3A_110] : memref<10240x128xf32, #tpu.memory_space<vmem_shared>> -> memref<64x128xf32, #tpu.memory_space<vmem_shared>>
      %dma_wait3A_112 = arith.constant 0 : i32
      %dma_wait3A_113 = tpu.memref_slice %arg12[%add3A_30, %dma_wait3A_112] : memref<10240x128xf32, #tpu.memory_space<vmem_shared>> -> memref<64x128xf32, #tpu.memory_space<vmem_shared>>
      tpu.wait_dma2 semaphore(%run_scoped3A : memref<!tpu.dma_semaphore, #tpu.memory_space<semaphore_mem>>) src(%arg10 : memref<64x128xf32, #tpu.memory_space<vmem>>) dst(%dma_wait3A_113 : memref<64x128xf32, #tpu.memory_space<vmem_shared>>)
      tpu.yield
    }) : () -> ()
    %mul3A_31 = arith.constant 640 : i32
    %mul3A_32 = arith.muli %arg1, %mul3A_31 : i32
    %add3A_33 = arith.constant 256 : i32
    %add3A_34 = arith.addi %mul3A_32, %add3A_33 : i32
    "tpu.region"() ({
      %run_scoped3A = tpu.sem_alloc : memref<!tpu.dma_semaphore, #tpu.memory_space<semaphore_mem>>
      %dma_start3A_106 = arith.constant 0 : i32
      %dma_start3A_107 = tpu.memref_slice %arg12[%add3A_34, %dma_start3A_106] : memref<10240x128xf32, #tpu.memory_space<vmem_shared>> -> memref<64x128xf32, #tpu.memory_space<vmem_shared>>
      %dma_start3A_108 = arith.constant 0 : i32
      %dma_start3A_109 = tpu.memref_slice %arg12[%add3A_34, %dma_start3A_108] : memref<10240x128xf32, #tpu.memory_space<vmem_shared>> -> memref<64x128xf32, #tpu.memory_space<vmem_shared>>
      tpu.enqueue_dma source(%arg10 : memref<64x128xf32, #tpu.memory_space<vmem>>) target(%dma_start3A_109 : memref<64x128xf32, #tpu.memory_space<vmem_shared>>) target_semaphore(%run_scoped3A : memref<!tpu.dma_semaphore, #tpu.memory_space<semaphore_mem>>)
      %dma_wait3A_110 = arith.constant 0 : i32
      %dma_wait3A_111 = tpu.memref_slice %arg12[%add3A_34, %dma_wait3A_110] : memref<10240x128xf32, #tpu.memory_space<vmem_shared>> -> memref<64x128xf32, #tpu.memory_space<vmem_shared>>
      %dma_wait3A_112 = arith.constant 0 : i32
      %dma_wait3A_113 = tpu.memref_slice %arg12[%add3A_34, %dma_wait3A_112] : memref<10240x128xf32, #tpu.memory_space<vmem_shared>> -> memref<64x128xf32, #tpu.memory_space<vmem_shared>>
      tpu.wait_dma2 semaphore(%run_scoped3A : memref<!tpu.dma_semaphore, #tpu.memory_space<semaphore_mem>>) src(%arg10 : memref<64x128xf32, #tpu.memory_space<vmem>>) dst(%dma_wait3A_113 : memref<64x128xf32, #tpu.memory_space<vmem_shared>>)
      tpu.yield
    }) : () -> ()
    %mul3A_35 = arith.constant 640 : i32
    %mul3A_36 = arith.muli %arg1, %mul3A_35 : i32
    %add3A_37 = arith.constant 320 : i32
    %add3A_38 = arith.addi %mul3A_36, %add3A_37 : i32
    "tpu.region"() ({
      %run_scoped3A = tpu.sem_alloc : memref<!tpu.dma_semaphore, #tpu.memory_space<semaphore_mem>>
      %dma_start3A_106 = arith.constant 0 : i32
      %dma_start3A_107 = tpu.memref_slice %arg12[%add3A_38, %dma_start3A_106] : memref<10240x128xf32, #tpu.memory_space<vmem_shared>> -> memref<64x128xf32, #tpu.memory_space<vmem_shared>>
      %dma_start3A_108 = arith.constant 0 : i32
      %dma_start3A_109 = tpu.memref_slice %arg12[%add3A_38, %dma_start3A_108] : memref<10240x128xf32, #tpu.memory_space<vmem_shared>> -> memref<64x128xf32, #tpu.memory_space<vmem_shared>>
      tpu.enqueue_dma source(%arg10 : memref<64x128xf32, #tpu.memory_space<vmem>>) target(%dma_start3A_109 : memref<64x128xf32, #tpu.memory_space<vmem_shared>>) target_semaphore(%run_scoped3A : memref<!tpu.dma_semaphore, #tpu.memory_space<semaphore_mem>>)
      %dma_wait3A_110 = arith.constant 0 : i32
      %dma_wait3A_111 = tpu.memref_slice %arg12[%add3A_38, %dma_wait3A_110] : memref<10240x128xf32, #tpu.memory_space<vmem_shared>> -> memref<64x128xf32, #tpu.memory_space<vmem_shared>>
      %dma_wait3A_112 = arith.constant 0 : i32
      %dma_wait3A_113 = tpu.memref_slice %arg12[%add3A_38, %dma_wait3A_112] : memref<10240x128xf32, #tpu.memory_space<vmem_shared>> -> memref<64x128xf32, #tpu.memory_space<vmem_shared>>
      tpu.wait_dma2 semaphore(%run_scoped3A : memref<!tpu.dma_semaphore, #tpu.memory_space<semaphore_mem>>) src(%arg10 : memref<64x128xf32, #tpu.memory_space<vmem>>) dst(%dma_wait3A_113 : memref<64x128xf32, #tpu.memory_space<vmem_shared>>)
      tpu.yield
    }) : () -> ()
    %mul3A_39 = arith.constant 640 : i32
    %mul3A_40 = arith.muli %arg1, %mul3A_39 : i32
    %add3A_41 = arith.constant 384 : i32
    %add3A_42 = arith.addi %mul3A_40, %add3A_41 : i32
    "tpu.region"() ({
      %run_scoped3A = tpu.sem_alloc : memref<!tpu.dma_semaphore, #tpu.memory_space<semaphore_mem>>
      %dma_start3A_106 = arith.constant 0 : i32
      %dma_start3A_107 = tpu.memref_slice %arg12[%add3A_42, %dma_start3A_106] : memref<10240x128xf32, #tpu.memory_space<vmem_shared>> -> memref<64x128xf32, #tpu.memory_space<vmem_shared>>
      %dma_start3A_108 = arith.constant 0 : i32
      %dma_start3A_109 = tpu.memref_slice %arg12[%add3A_42, %dma_start3A_108] : memref<10240x128xf32, #tpu.memory_space<vmem_shared>> -> memref<64x128xf32, #tpu.memory_space<vmem_shared>>
      tpu.enqueue_dma source(%arg10 : memref<64x128xf32, #tpu.memory_space<vmem>>) target(%dma_start3A_109 : memref<64x128xf32, #tpu.memory_space<vmem_shared>>) target_semaphore(%run_scoped3A : memref<!tpu.dma_semaphore, #tpu.memory_space<semaphore_mem>>)
      %dma_wait3A_110 = arith.constant 0 : i32
      %dma_wait3A_111 = tpu.memref_slice %arg12[%add3A_42, %dma_wait3A_110] : memref<10240x128xf32, #tpu.memory_space<vmem_shared>> -> memref<64x128xf32, #tpu.memory_space<vmem_shared>>
      %dma_wait3A_112 = arith.constant 0 : i32
      %dma_wait3A_113 = tpu.memref_slice %arg12[%add3A_42, %dma_wait3A_112] : memref<10240x128xf32, #tpu.memory_space<vmem_shared>> -> memref<64x128xf32, #tpu.memory_space<vmem_shared>>
      tpu.wait_dma2 semaphore(%run_scoped3A : memref<!tpu.dma_semaphore, #tpu.memory_space<semaphore_mem>>) src(%arg10 : memref<64x128xf32, #tpu.memory_space<vmem>>) dst(%dma_wait3A_113 : memref<64x128xf32, #tpu.memory_space<vmem_shared>>)
      tpu.yield
    }) : () -> ()
    %mul3A_43 = arith.constant 640 : i32
    %mul3A_44 = arith.muli %arg1, %mul3A_43 : i32
    %add3A_45 = arith.constant 448 : i32
    %add3A_46 = arith.addi %mul3A_44, %add3A_45 : i32
    "tpu.region"() ({
      %run_scoped3A = tpu.sem_alloc : memref<!tpu.dma_semaphore, #tpu.memory_space<semaphore_mem>>
      %dma_start3A_106 = arith.constant 0 : i32
      %dma_start3A_107 = tpu.memref_slice %arg12[%add3A_46, %dma_start3A_106] : memref<10240x128xf32, #tpu.memory_space<vmem_shared>> -> memref<64x128xf32, #tpu.memory_space<vmem_shared>>
      %dma_start3A_108 = arith.constant 0 : i32
      %dma_start3A_109 = tpu.memref_slice %arg12[%add3A_46, %dma_start3A_108] : memref<10240x128xf32, #tpu.memory_space<vmem_shared>> -> memref<64x128xf32, #tpu.memory_space<vmem_shared>>
      tpu.enqueue_dma source(%arg10 : memref<64x128xf32, #tpu.memory_space<vmem>>) target(%dma_start3A_109 : memref<64x128xf32, #tpu.memory_space<vmem_shared>>) target_semaphore(%run_scoped3A : memref<!tpu.dma_semaphore, #tpu.memory_space<semaphore_mem>>)
      %dma_wait3A_110 = arith.constant 0 : i32
      %dma_wait3A_111 = tpu.memref_slice %arg12[%add3A_46, %dma_wait3A_110] : memref<10240x128xf32, #tpu.memory_space<vmem_shared>> -> memref<64x128xf32, #tpu.memory_space<vmem_shared>>
      %dma_wait3A_112 = arith.constant 0 : i32
      %dma_wait3A_113 = tpu.memref_slice %arg12[%add3A_46, %dma_wait3A_112] : memref<10240x128xf32, #tpu.memory_space<vmem_shared>> -> memref<64x128xf32, #tpu.memory_space<vmem_shared>>
      tpu.wait_dma2 semaphore(%run_scoped3A : memref<!tpu.dma_semaphore, #tpu.memory_space<semaphore_mem>>) src(%arg10 : memref<64x128xf32, #tpu.memory_space<vmem>>) dst(%dma_wait3A_113 : memref<64x128xf32, #tpu.memory_space<vmem_shared>>)
      tpu.yield
    }) : () -> ()
    %mul3A_47 = arith.constant 640 : i32
    %mul3A_48 = arith.muli %arg1, %mul3A_47 : i32
    %add3A_49 = arith.constant 512 : i32
    %add3A_50 = arith.addi %mul3A_48, %add3A_49 : i32
    "tpu.region"() ({
      %run_scoped3A = tpu.sem_alloc : memref<!tpu.dma_semaphore, #tpu.memory_space<semaphore_mem>>
      %dma_start3A_106 = arith.constant 0 : i32
      %dma_start3A_107 = tpu.memref_slice %arg12[%add3A_50, %dma_start3A_106] : memref<10240x128xf32, #tpu.memory_space<vmem_shared>> -> memref<64x128xf32, #tpu.memory_space<vmem_shared>>
      %dma_start3A_108 = arith.constant 0 : i32
      %dma_start3A_109 = tpu.memref_slice %arg12[%add3A_50, %dma_start3A_108] : memref<10240x128xf32, #tpu.memory_space<vmem_shared>> -> memref<64x128xf32, #tpu.memory_space<vmem_shared>>
      tpu.enqueue_dma source(%arg10 : memref<64x128xf32, #tpu.memory_space<vmem>>) target(%dma_start3A_109 : memref<64x128xf32, #tpu.memory_space<vmem_shared>>) target_semaphore(%run_scoped3A : memref<!tpu.dma_semaphore, #tpu.memory_space<semaphore_mem>>)
      %dma_wait3A_110 = arith.constant 0 : i32
      %dma_wait3A_111 = tpu.memref_slice %arg12[%add3A_50, %dma_wait3A_110] : memref<10240x128xf32, #tpu.memory_space<vmem_shared>> -> memref<64x128xf32, #tpu.memory_space<vmem_shared>>
      %dma_wait3A_112 = arith.constant 0 : i32
      %dma_wait3A_113 = tpu.memref_slice %arg12[%add3A_50, %dma_wait3A_112] : memref<10240x128xf32, #tpu.memory_space<vmem_shared>> -> memref<64x128xf32, #tpu.memory_space<vmem_shared>>
      tpu.wait_dma2 semaphore(%run_scoped3A : memref<!tpu.dma_semaphore, #tpu.memory_space<semaphore_mem>>) src(%arg10 : memref<64x128xf32, #tpu.memory_space<vmem>>) dst(%dma_wait3A_113 : memref<64x128xf32, #tpu.memory_space<vmem_shared>>)
      tpu.yield
    }) : () -> ()
    %mul3A_51 = arith.constant 640 : i32
    %mul3A_52 = arith.muli %arg1, %mul3A_51 : i32
    %add3A_53 = arith.constant 576 : i32
    %add3A_54 = arith.addi %mul3A_52, %add3A_53 : i32
    "tpu.region"() ({
      %run_scoped3A = tpu.sem_alloc : memref<!tpu.dma_semaphore, #tpu.memory_space<semaphore_mem>>
      %dma_start3A_106 = arith.constant 0 : i32
      %dma_start3A_107 = tpu.memref_slice %arg12[%add3A_54, %dma_start3A_106] : memref<10240x128xf32, #tpu.memory_space<vmem_shared>> -> memref<64x128xf32, #tpu.memory_space<vmem_shared>>
      %dma_start3A_108 = arith.constant 0 : i32
      %dma_start3A_109 = tpu.memref_slice %arg12[%add3A_54, %dma_start3A_108] : memref<10240x128xf32, #tpu.memory_space<vmem_shared>> -> memref<64x128xf32, #tpu.memory_space<vmem_shared>>
      tpu.enqueue_dma source(%arg10 : memref<64x128xf32, #tpu.memory_space<vmem>>) target(%dma_start3A_109 : memref<64x128xf32, #tpu.memory_space<vmem_shared>>) target_semaphore(%run_scoped3A : memref<!tpu.dma_semaphore, #tpu.memory_space<semaphore_mem>>)
      %dma_wait3A_110 = arith.constant 0 : i32
      %dma_wait3A_111 = tpu.memref_slice %arg12[%add3A_54, %dma_wait3A_110] : memref<10240x128xf32, #tpu.memory_space<vmem_shared>> -> memref<64x128xf32, #tpu.memory_space<vmem_shared>>
      %dma_wait3A_112 = arith.constant 0 : i32
      %dma_wait3A_113 = tpu.memref_slice %arg12[%add3A_54, %dma_wait3A_112] : memref<10240x128xf32, #tpu.memory_space<vmem_shared>> -> memref<64x128xf32, #tpu.memory_space<vmem_shared>>
      tpu.wait_dma2 semaphore(%run_scoped3A : memref<!tpu.dma_semaphore, #tpu.memory_space<semaphore_mem>>) src(%arg10 : memref<64x128xf32, #tpu.memory_space<vmem>>) dst(%dma_wait3A_113 : memref<64x128xf32, #tpu.memory_space<vmem_shared>>)
      tpu.yield
    }) : () -> ()
    %barrier3A = arith.constant 0 : index
    tpu.barrier barrier_id(%barrier3A)
    %add3A_55 = arith.constant 0 : i32
    %add3A_56 = arith.addi %select_n3A_8, %add3A_55 : i32
    %mul3A_57 = arith.constant 64 : i32
    %mul3A_58 = arith.muli %add3A_56, %mul3A_57 : i32
    %multiple_of3A = tpu.assume_multiple %mul3A_58, 1024 : i32
    %dma_start3A = tpu.memref_slice %arg3[%multiple_of3A] : memref<327680xi32, #tpu.memory_space<hbm>> -> memref<1024xi32, #tpu.memory_space<hbm>>
    %dma_start3A_59 = tpu.memref_slice %arg3[%multiple_of3A] : memref<327680xi32, #tpu.memory_space<hbm>> -> memref<1024xi32, #tpu.memory_space<hbm>>
    tpu.enqueue_dma source(%dma_start3A_59 : memref<1024xi32, #tpu.memory_space<hbm>>) target(%arg6 : memref<1024xi32, #tpu.memory_space<vmem>>) target_semaphore(%arg15 : memref<!tpu.dma_semaphore, #tpu.memory_space<semaphore_mem>>)
    %add3A_60 = arith.constant 0 : i32
    %add3A_61 = arith.addi %select_n3A_8, %add3A_60 : i32
    %multiple_of3A_62 = tpu.assume_multiple %add3A_61, 16 : i32
    %dma_start3A_63 = arith.constant 0 : i32
    %dma_start3A_64 = tpu.memref_slice %arg4[%multiple_of3A_62, %dma_start3A_63] : memref<5120x64xi32, #tpu.memory_space<hbm>> -> memref<16x64xi32, #tpu.memory_space<hbm>>
    %dma_start3A_65 = arith.constant 0 : i32
    %dma_start3A_66 = tpu.memref_slice %arg4[%multiple_of3A_62, %dma_start3A_65] : memref<5120x64xi32, #tpu.memory_space<hbm>> -> memref<16x64xi32, #tpu.memory_space<hbm>>
    tpu.enqueue_dma source(%dma_start3A_66 : memref<16x64xi32, #tpu.memory_space<hbm>>) target(%arg8 : memref<16x64xi32, #tpu.memory_space<vmem>>) target_semaphore(%arg15 : memref<!tpu.dma_semaphore, #tpu.memory_space<semaphore_mem>>)
    %add3A_67 = arith.constant 0 : i32
    %add3A_68 = arith.addi %select_n3A_8, %add3A_67 : i32
    %mul3A_69 = arith.constant 64 : i32
    %mul3A_70 = arith.muli %add3A_68, %mul3A_69 : i32
    %multiple_of3A_71 = tpu.assume_multiple %mul3A_70, 1024 : i32
    %dma_wait3A = tpu.memref_slice %arg3[%multiple_of3A_71] : memref<327680xi32, #tpu.memory_space<hbm>> -> memref<1024xi32, #tpu.memory_space<hbm>>
    %dma_wait3A_72 = tpu.memref_slice %arg3[%multiple_of3A_71] : memref<327680xi32, #tpu.memory_space<hbm>> -> memref<1024xi32, #tpu.memory_space<hbm>>
    tpu.wait_dma2 semaphore(%arg15 : memref<!tpu.dma_semaphore, #tpu.memory_space<semaphore_mem>>) src(%dma_wait3A_72 : memref<1024xi32, #tpu.memory_space<hbm>>) dst(%arg6 : memref<1024xi32, #tpu.memory_space<vmem>>)
    %add3A_73 = arith.constant 0 : i32
    %add3A_74 = arith.addi %select_n3A_8, %add3A_73 : i32
    %multiple_of3A_75 = tpu.assume_multiple %add3A_74, 16 : i32
    %dma_wait3A_76 = arith.constant 0 : i32
    %dma_wait3A_77 = tpu.memref_slice %arg4[%multiple_of3A_75, %dma_wait3A_76] : memref<5120x64xi32, #tpu.memory_space<hbm>> -> memref<16x64xi32, #tpu.memory_space<hbm>>
    %dma_wait3A_78 = arith.constant 0 : i32
    %dma_wait3A_79 = tpu.memref_slice %arg4[%multiple_of3A_75, %dma_wait3A_78] : memref<5120x64xi32, #tpu.memory_space<hbm>> -> memref<16x64xi32, #tpu.memory_space<hbm>>
    tpu.wait_dma2 semaphore(%arg15 : memref<!tpu.dma_semaphore, #tpu.memory_space<semaphore_mem>>) src(%dma_wait3A_79 : memref<16x64xi32, #tpu.memory_space<hbm>>) dst(%arg8 : memref<16x64xi32, #tpu.memory_space<vmem>>)
    %multiple_of3A_80 = arith.constant 0 : i32
    %multiple_of3A_81 = tpu.assume_multiple %multiple_of3A_80, 64 : i32
    %dma_start3A_82 = tpu.memref_slice %arg6[%multiple_of3A_81] : memref<1024xi32, #tpu.memory_space<vmem>> -> memref<64xi32, #tpu.memory_space<vmem>>
    %dma_start3A_83 = arith.constant 0 : i32
    %dma_start3A_84 = arith.constant 0 : i32
    %dma_start3A_85 = tpu.memref_slice %arg2[%dma_start3A_83, %dma_start3A_84] : memref<10240x128xf32, #tpu.memory_space<hbm>> -> memref<10240x128xf32, #tpu.memory_space<hbm>>
    tpu.enqueue_indirect_dma source(%dma_start3A_85 : memref<10240x128xf32, #tpu.memory_space<hbm>>) target(%arg10 : memref<64x128xf32, #tpu.memory_space<vmem>>) offsets(%dma_start3A_82 : memref<64xi32, #tpu.memory_space<vmem>>) semaphore(%arg13 : memref<!tpu.dma_semaphore, #tpu.memory_space<semaphore_mem>>)
    %multiple_of3A_86 = arith.constant 64 : i32
    %multiple_of3A_87 = tpu.assume_multiple %multiple_of3A_86, 64 : i32
    %dma_start3A_88 = tpu.memref_slice %arg6[%multiple_of3A_87] : memref<1024xi32, #tpu.memory_space<vmem>> -> memref<64xi32, #tpu.memory_space<vmem>>
    %dma_start3A_89 = arith.constant 0 : i32
    %dma_start3A_90 = arith.constant 0 : i32
    %dma_start3A_91 = tpu.memref_slice %arg2[%dma_start3A_89, %dma_start3A_90] : memref<10240x128xf32, #tpu.memory_space<hbm>> -> memref<10240x128xf32, #tpu.memory_space<hbm>>
    tpu.enqueue_indirect_dma source(%dma_start3A_91 : memref<10240x128xf32, #tpu.memory_space<hbm>>) target(%arg11 : memref<64x128xf32, #tpu.memory_space<vmem>>) offsets(%dma_start3A_88 : memref<64xi32, #tpu.memory_space<vmem>>) semaphore(%arg14 : memref<!tpu.dma_semaphore, #tpu.memory_space<semaphore_mem>>)
    %while3A = arith.constant 0 : i32
    %while3A_92 = arith.constant 0 : i32
    %while3A_93 = arith.subi %select_n3A, %while3A_92 : i32
    %while3A_94 = arith.addi %while3A_92, %while3A_93 : i32
    %while3A_95 = arith.constant 1 : i32
    %while3A_96 = arith.divsi %while3A_93, %while3A_95 : i32
    %while3A_97 = arith.muli %while3A_96, %while3A_95 : i32
    %while3A_98 = arith.addi %while3A_92, %while3A_97 : i32
    %while3A_99 = arith.constant 1 : i32
    scf.for %while3A_106 = %while3A_92 to %while3A_98 step %while3A_99  : i32 {
      %jit3A_107 = arith.constant 2 : i32
      %eq3A_108 = arith.constant 0 : i32
      %eq3A_109 = arith.cmpi eq, %jit3A_107, %eq3A_108 : i32
      %jit3A_110 = arith.constant 1 : i32
      %select_n3A_111 = arith.select %eq3A_109, %jit3A_110, %jit3A_107 : i32
      %rem3A = arith.remsi %while3A_106, %select_n3A_111 : i32
      %ne3A = arith.constant 0 : i32
      %ne3A_112 = arith.cmpi ne, %rem3A, %ne3A : i32
      %lt3A = arith.constant 0 : i32
      %lt3A_113 = arith.cmpi slt, %rem3A, %lt3A : i32
      %lt3A_114 = arith.constant 0 : i32
      %lt3A_115 = arith.cmpi slt, %select_n3A_111, %lt3A_114 : i32
      %ne3A_116 = arith.xori %lt3A_113, %lt3A_115 : i1
      %and3A = arith.andi %ne3A_116, %ne3A_112 : i1
      %add3A_117 = arith.addi %rem3A, %select_n3A_111 : i32
      %select_n3A_118 = arith.select %and3A, %add3A_117, %rem3A : i32
      %eq3A_119 = arith.constant 0 : i32
      %eq3A_120 = arith.cmpi eq, %select_n3A_118, %eq3A_119 : i32
      %convert_element_type3A = arith.extui %eq3A_120 : i1 to i32
      %cond3A = arith.constant 0 : i32
      %cond3A_121 = arith.cmpi ne, %convert_element_type3A, %cond3A : i32
      scf.if %cond3A_121 {
        %add3A_143 = arith.constant 1 : i32
        %add3A_144 = arith.addi %while3A_106, %add3A_143 : i32
        %lt3A_145 = arith.cmpi slt, %add3A_144, %select_n3A : i32
        %convert_element_type3A_146 = arith.extui %lt3A_145 : i1 to i32
        %cond3A_147 = arith.constant 0 : i32
        %cond3A_148 = arith.cmpi ne, %convert_element_type3A_146, %cond3A_147 : i32
        scf.if %cond3A_148 {
          %add3A_155 = arith.constant 1 : i32
          %add3A_156 = arith.addi %while3A_106, %add3A_155 : i32
          %mul3A_157 = arith.constant 16 : i32
          %mul3A_158 = arith.muli %add3A_156, %mul3A_157 : i32
          %add3A_159 = arith.addi %select_n3A_8, %mul3A_158 : i32
          %mul3A_160 = arith.constant 64 : i32
          %mul3A_161 = arith.muli %add3A_159, %mul3A_160 : i32
          %multiple_of3A_162 = tpu.assume_multiple %mul3A_161, 1024 : i32
          %dma_start3A_163 = tpu.memref_slice %arg3[%multiple_of3A_162] : memref<327680xi32, #tpu.memory_space<hbm>> -> memref<1024xi32, #tpu.memory_space<hbm>>
          %dma_start3A_164 = tpu.memref_slice %arg3[%multiple_of3A_162] : memref<327680xi32, #tpu.memory_space<hbm>> -> memref<1024xi32, #tpu.memory_space<hbm>>
          tpu.enqueue_dma source(%dma_start3A_164 : memref<1024xi32, #tpu.memory_space<hbm>>) target(%arg7 : memref<1024xi32, #tpu.memory_space<vmem>>) target_semaphore(%arg16 : memref<!tpu.dma_semaphore, #tpu.memory_space<semaphore_mem>>)
          %add3A_165 = arith.constant 1 : i32
          %add3A_166 = arith.addi %while3A_106, %add3A_165 : i32
          %mul3A_167 = arith.constant 16 : i32
          %mul3A_168 = arith.muli %add3A_166, %mul3A_167 : i32
          %add3A_169 = arith.addi %select_n3A_8, %mul3A_168 : i32
          %multiple_of3A_170 = tpu.assume_multiple %add3A_169, 16 : i32
          %dma_start3A_171 = arith.constant 0 : i32
          %dma_start3A_172 = tpu.memref_slice %arg4[%multiple_of3A_170, %dma_start3A_171] : memref<5120x64xi32, #tpu.memory_space<hbm>> -> memref<16x64xi32, #tpu.memory_space<hbm>>
          %dma_start3A_173 = arith.constant 0 : i32
          %dma_start3A_174 = tpu.memref_slice %arg4[%multiple_of3A_170, %dma_start3A_173] : memref<5120x64xi32, #tpu.memory_space<hbm>> -> memref<16x64xi32, #tpu.memory_space<hbm>>
          tpu.enqueue_dma source(%dma_start3A_174 : memref<16x64xi32, #tpu.memory_space<hbm>>) target(%arg9 : memref<16x64xi32, #tpu.memory_space<vmem>>) target_semaphore(%arg16 : memref<!tpu.dma_semaphore, #tpu.memory_space<semaphore_mem>>)
        } else {
        }
        %scan3A_149 = arith.constant 0 : i32
        %scan3A_150 = arith.constant 0 : i32
        %scan3A_151 = arith.constant 8 : i32
        %scan3A_152 = arith.addi %scan3A_150, %scan3A_151 : i32
        %scan3A_153 = arith.constant 1 : i32
        scf.for %scan3A_155 = %scan3A_150 to %scan3A_152 step %scan3A_153  : i32 {
          %mul3A_156 = arith.constant 2 : i32
          %mul3A_157 = arith.muli %scan3A_155, %mul3A_156 : i32
          %mul3A_158 = arith.constant 64 : i32
          %mul3A_159 = arith.muli %mul3A_157, %mul3A_158 : i32
          %multiple_of3A_160 = tpu.assume_multiple %mul3A_159, 64 : i32
          %dma_wait3A_161 = tpu.memref_slice %arg6[%multiple_of3A_160] : memref<1024xi32, #tpu.memory_space<vmem>> -> memref<64xi32, #tpu.memory_space<vmem>>
          %dma_wait3A_162 = arith.constant 0 : i32
          %dma_wait3A_163 = arith.constant 0 : i32
          %dma_wait3A_164 = tpu.memref_slice %arg2[%dma_wait3A_162, %dma_wait3A_163] : memref<10240x128xf32, #tpu.memory_space<hbm>> -> memref<10240x128xf32, #tpu.memory_space<hbm>>
          tpu.wait_indirect_dma semaphore(%arg13 : memref<!tpu.dma_semaphore, #tpu.memory_space<semaphore_mem>>) src(%dma_wait3A_164 : memref<10240x128xf32, #tpu.memory_space<hbm>>) dst(%arg10 : memref<64x128xf32, #tpu.memory_space<vmem>>)
          %dma_start3A_165 = arith.constant 0 : i32
          %dma_start3A_166 = tpu.memref_slice %arg8[%mul3A_157, %dma_start3A_165] : memref<16x64xi32, #tpu.memory_space<vmem>> -> memref<1x64xi32, #tpu.memory_space<vmem>>
          %dma_start3A_167 = tpu.memref_squeeze %dma_start3A_166 : memref<1x64xi32, #tpu.memory_space<vmem>> -> memref<64xi32, #tpu.memory_space<vmem>>
          %dma_start3A_168 = arith.constant 0 : i32
          %dma_start3A_169 = arith.constant 0 : i32
          %dma_start3A_170 = tpu.memref_slice %arg12[%dma_start3A_168, %dma_start3A_169] : memref<10240x128xf32, #tpu.memory_space<vmem_shared>> -> memref<10240x128xf32, #tpu.memory_space<vmem_shared>>
          tpu.enqueue_indirect_dma source(%arg10 : memref<64x128xf32, #tpu.memory_space<vmem>>) target(%dma_start3A_170 : memref<10240x128xf32, #tpu.memory_space<vmem_shared>>) offsets(%dma_start3A_167 : memref<64xi32, #tpu.memory_space<vmem>>) semaphore(%arg17 : memref<!tpu.dma_semaphore, #tpu.memory_space<semaphore_mem>>) {add = true}
          %add3A_171 = arith.constant 1 : i32
          %add3A_172 = arith.addi %mul3A_157, %add3A_171 : i32
          %mul3A_173 = arith.constant 64 : i32
          %mul3A_174 = arith.muli %add3A_172, %mul3A_173 : i32
          %multiple_of3A_175 = tpu.assume_multiple %mul3A_174, 64 : i32
          %dma_wait3A_176 = tpu.memref_slice %arg6[%multiple_of3A_175] : memref<1024xi32, #tpu.memory_space<vmem>> -> memref<64xi32, #tpu.memory_space<vmem>>
          %dma_wait3A_177 = arith.constant 0 : i32
          %dma_wait3A_178 = arith.constant 0 : i32
          %dma_wait3A_179 = tpu.memref_slice %arg2[%dma_wait3A_177, %dma_wait3A_178] : memref<10240x128xf32, #tpu.memory_space<hbm>> -> memref<10240x128xf32, #tpu.memory_space<hbm>>
          tpu.wait_indirect_dma semaphore(%arg14 : memref<!tpu.dma_semaphore, #tpu.memory_space<semaphore_mem>>) src(%dma_wait3A_179 : memref<10240x128xf32, #tpu.memory_space<hbm>>) dst(%arg11 : memref<64x128xf32, #tpu.memory_space<vmem>>)
          %add3A_180 = arith.constant 1 : i32
          %add3A_181 = arith.addi %mul3A_157, %add3A_180 : i32
          %dma_start3A_182 = arith.constant 0 : i32
          %dma_start3A_183 = tpu.memref_slice %arg8[%add3A_181, %dma_start3A_182] : memref<16x64xi32, #tpu.memory_space<vmem>> -> memref<1x64xi32, #tpu.memory_space<vmem>>
          %dma_start3A_184 = tpu.memref_squeeze %dma_start3A_183 : memref<1x64xi32, #tpu.memory_space<vmem>> -> memref<64xi32, #tpu.memory_space<vmem>>
          %dma_start3A_185 = arith.constant 0 : i32
          %dma_start3A_186 = arith.constant 0 : i32
          %dma_start3A_187 = tpu.memref_slice %arg12[%dma_start3A_185, %dma_start3A_186] : memref<10240x128xf32, #tpu.memory_space<vmem_shared>> -> memref<10240x128xf32, #tpu.memory_space<vmem_shared>>
          tpu.enqueue_indirect_dma source(%arg11 : memref<64x128xf32, #tpu.memory_space<vmem>>) target(%dma_start3A_187 : memref<10240x128xf32, #tpu.memory_space<vmem_shared>>) offsets(%dma_start3A_184 : memref<64xi32, #tpu.memory_space<vmem>>) semaphore(%arg18 : memref<!tpu.dma_semaphore, #tpu.memory_space<semaphore_mem>>) {add = true}
          %dma_wait3A_188 = arith.constant 0 : i32
          %dma_wait3A_189 = tpu.memref_slice %arg8[%mul3A_157, %dma_wait3A_188] : memref<16x64xi32, #tpu.memory_space<vmem>> -> memref<1x64xi32, #tpu.memory_space<vmem>>
          %dma_wait3A_190 = tpu.memref_squeeze %dma_wait3A_189 : memref<1x64xi32, #tpu.memory_space<vmem>> -> memref<64xi32, #tpu.memory_space<vmem>>
          %dma_wait3A_191 = arith.constant 0 : i32
          %dma_wait3A_192 = arith.constant 0 : i32
          %dma_wait3A_193 = tpu.memref_slice %arg12[%dma_wait3A_191, %dma_wait3A_192] : memref<10240x128xf32, #tpu.memory_space<vmem_shared>> -> memref<10240x128xf32, #tpu.memory_space<vmem_shared>>
          tpu.wait_indirect_dma semaphore(%arg17 : memref<!tpu.dma_semaphore, #tpu.memory_space<semaphore_mem>>) src(%arg10 : memref<64x128xf32, #tpu.memory_space<vmem>>) dst(%dma_wait3A_193 : memref<10240x128xf32, #tpu.memory_space<vmem_shared>>)
          %lt3A_194 = arith.constant 7 : i32
          %lt3A_195 = arith.cmpi slt, %scan3A_155, %lt3A_194 : i32
          %convert_element_type3A_196 = arith.extui %lt3A_195 : i1 to i32
          %cond3A_197 = arith.constant 0 : i32
          %cond3A_198 = arith.cmpi ne, %convert_element_type3A_196, %cond3A_197 : i32
          scf.if %cond3A_198 {
            %add3A_230 = arith.constant 2 : i32
            %add3A_231 = arith.addi %mul3A_157, %add3A_230 : i32
            %mul3A_232 = arith.constant 64 : i32
            %mul3A_233 = arith.muli %add3A_231, %mul3A_232 : i32
            %multiple_of3A_234 = tpu.assume_multiple %mul3A_233, 64 : i32
            %dma_start3A_235 = tpu.memref_slice %arg6[%multiple_of3A_234] : memref<1024xi32, #tpu.memory_space<vmem>> -> memref<64xi32, #tpu.memory_space<vmem>>
            %dma_start3A_236 = arith.constant 0 : i32
            %dma_start3A_237 = arith.constant 0 : i32
            %dma_start3A_238 = tpu.memref_slice %arg2[%dma_start3A_236, %dma_start3A_237] : memref<10240x128xf32, #tpu.memory_space<hbm>> -> memref<10240x128xf32, #tpu.memory_space<hbm>>
            tpu.enqueue_indirect_dma source(%dma_start3A_238 : memref<10240x128xf32, #tpu.memory_space<hbm>>) target(%arg10 : memref<64x128xf32, #tpu.memory_space<vmem>>) offsets(%dma_start3A_235 : memref<64xi32, #tpu.memory_space<vmem>>) semaphore(%arg13 : memref<!tpu.dma_semaphore, #tpu.memory_space<semaphore_mem>>)
          } else {
          }
          %eq3A_199 = arith.constant 7 : i32
          %eq3A_200 = arith.cmpi eq, %scan3A_155, %eq3A_199 : i32
          %add3A_201 = arith.constant 1 : i32
          %add3A_202 = arith.addi %while3A_106, %add3A_201 : i32
          %lt3A_203 = arith.cmpi slt, %add3A_202, %select_n3A : i32
          %and3A_204 = arith.andi %eq3A_200, %lt3A_203 : i1
          %convert_element_type3A_205 = arith.extui %and3A_204 : i1 to i32
          %cond3A_206 = arith.constant 0 : i32
          %cond3A_207 = arith.cmpi ne, %convert_element_type3A_205, %cond3A_206 : i32
          scf.if %cond3A_207 {
            %add3A_230 = arith.constant 1 : i32
            %add3A_231 = arith.addi %while3A_106, %add3A_230 : i32
            %mul3A_232 = arith.constant 16 : i32
            %mul3A_233 = arith.muli %add3A_231, %mul3A_232 : i32
            %add3A_234 = arith.addi %select_n3A_8, %mul3A_233 : i32
            %mul3A_235 = arith.constant 64 : i32
            %mul3A_236 = arith.muli %add3A_234, %mul3A_235 : i32
            %multiple_of3A_237 = tpu.assume_multiple %mul3A_236, 1024 : i32
            %dma_wait3A_238 = tpu.memref_slice %arg3[%multiple_of3A_237] : memref<327680xi32, #tpu.memory_space<hbm>> -> memref<1024xi32, #tpu.memory_space<hbm>>
            %dma_wait3A_239 = tpu.memref_slice %arg3[%multiple_of3A_237] : memref<327680xi32, #tpu.memory_space<hbm>> -> memref<1024xi32, #tpu.memory_space<hbm>>
            tpu.wait_dma2 semaphore(%arg16 : memref<!tpu.dma_semaphore, #tpu.memory_space<semaphore_mem>>) src(%dma_wait3A_239 : memref<1024xi32, #tpu.memory_space<hbm>>) dst(%arg7 : memref<1024xi32, #tpu.memory_space<vmem>>)
            %add3A_240 = arith.constant 1 : i32
            %add3A_241 = arith.addi %while3A_106, %add3A_240 : i32
            %mul3A_242 = arith.constant 16 : i32
            %mul3A_243 = arith.muli %add3A_241, %mul3A_242 : i32
            %add3A_244 = arith.addi %select_n3A_8, %mul3A_243 : i32
            %multiple_of3A_245 = tpu.assume_multiple %add3A_244, 16 : i32
            %dma_wait3A_246 = arith.constant 0 : i32
            %dma_wait3A_247 = tpu.memref_slice %arg4[%multiple_of3A_245, %dma_wait3A_246] : memref<5120x64xi32, #tpu.memory_space<hbm>> -> memref<16x64xi32, #tpu.memory_space<hbm>>
            %dma_wait3A_248 = arith.constant 0 : i32
            %dma_wait3A_249 = tpu.memref_slice %arg4[%multiple_of3A_245, %dma_wait3A_248] : memref<5120x64xi32, #tpu.memory_space<hbm>> -> memref<16x64xi32, #tpu.memory_space<hbm>>
            tpu.wait_dma2 semaphore(%arg16 : memref<!tpu.dma_semaphore, #tpu.memory_space<semaphore_mem>>) src(%dma_wait3A_249 : memref<16x64xi32, #tpu.memory_space<hbm>>) dst(%arg9 : memref<16x64xi32, #tpu.memory_space<vmem>>)
            %multiple_of3A_250 = arith.constant 0 : i32
            %multiple_of3A_251 = tpu.assume_multiple %multiple_of3A_250, 64 : i32
            %dma_start3A_252 = tpu.memref_slice %arg7[%multiple_of3A_251] : memref<1024xi32, #tpu.memory_space<vmem>> -> memref<64xi32, #tpu.memory_space<vmem>>
            %dma_start3A_253 = arith.constant 0 : i32
            %dma_start3A_254 = arith.constant 0 : i32
            %dma_start3A_255 = tpu.memref_slice %arg2[%dma_start3A_253, %dma_start3A_254] : memref<10240x128xf32, #tpu.memory_space<hbm>> -> memref<10240x128xf32, #tpu.memory_space<hbm>>
            tpu.enqueue_indirect_dma source(%dma_start3A_255 : memref<10240x128xf32, #tpu.memory_space<hbm>>) target(%arg10 : memref<64x128xf32, #tpu.memory_space<vmem>>) offsets(%dma_start3A_252 : memref<64xi32, #tpu.memory_space<vmem>>) semaphore(%arg13 : memref<!tpu.dma_semaphore, #tpu.memory_space<semaphore_mem>>)
          } else {
          }
          %add3A_208 = arith.constant 1 : i32
          %add3A_209 = arith.addi %mul3A_157, %add3A_208 : i32
          %dma_wait3A_210 = arith.constant 0 : i32
          %dma_wait3A_211 = tpu.memref_slice %arg8[%add3A_209, %dma_wait3A_210] : memref<16x64xi32, #tpu.memory_space<vmem>> -> memref<1x64xi32, #tpu.memory_space<vmem>>
          %dma_wait3A_212 = tpu.memref_squeeze %dma_wait3A_211 : memref<1x64xi32, #tpu.memory_space<vmem>> -> memref<64xi32, #tpu.memory_space<vmem>>
          %dma_wait3A_213 = arith.constant 0 : i32
          %dma_wait3A_214 = arith.constant 0 : i32
          %dma_wait3A_215 = tpu.memref_slice %arg12[%dma_wait3A_213, %dma_wait3A_214] : memref<10240x128xf32, #tpu.memory_space<vmem_shared>> -> memref<10240x128xf32, #tpu.memory_space<vmem_shared>>
          tpu.wait_indirect_dma semaphore(%arg18 : memref<!tpu.dma_semaphore, #tpu.memory_space<semaphore_mem>>) src(%arg11 : memref<64x128xf32, #tpu.memory_space<vmem>>) dst(%dma_wait3A_215 : memref<10240x128xf32, #tpu.memory_space<vmem_shared>>)
          %lt3A_216 = arith.constant 7 : i32
          %lt3A_217 = arith.cmpi slt, %scan3A_155, %lt3A_216 : i32
          %convert_element_type3A_218 = arith.extui %lt3A_217 : i1 to i32
          %cond3A_219 = arith.constant 0 : i32
          %cond3A_220 = arith.cmpi ne, %convert_element_type3A_218, %cond3A_219 : i32
          scf.if %cond3A_220 {
            %add3A_230 = arith.constant 3 : i32
            %add3A_231 = arith.addi %mul3A_157, %add3A_230 : i32
            %mul3A_232 = arith.constant 64 : i32
            %mul3A_233 = arith.muli %add3A_231, %mul3A_232 : i32
            %multiple_of3A_234 = tpu.assume_multiple %mul3A_233, 64 : i32
            %dma_start3A_235 = tpu.memref_slice %arg6[%multiple_of3A_234] : memref<1024xi32, #tpu.memory_space<vmem>> -> memref<64xi32, #tpu.memory_space<vmem>>
            %dma_start3A_236 = arith.constant 0 : i32
            %dma_start3A_237 = arith.constant 0 : i32
            %dma_start3A_238 = tpu.memref_slice %arg2[%dma_start3A_236, %dma_start3A_237] : memref<10240x128xf32, #tpu.memory_space<hbm>> -> memref<10240x128xf32, #tpu.memory_space<hbm>>
            tpu.enqueue_indirect_dma source(%dma_start3A_238 : memref<10240x128xf32, #tpu.memory_space<hbm>>) target(%arg11 : memref<64x128xf32, #tpu.memory_space<vmem>>) offsets(%dma_start3A_235 : memref<64xi32, #tpu.memory_space<vmem>>) semaphore(%arg14 : memref<!tpu.dma_semaphore, #tpu.memory_space<semaphore_mem>>)
          } else {
          }
          %eq3A_221 = arith.constant 7 : i32
          %eq3A_222 = arith.cmpi eq, %scan3A_155, %eq3A_221 : i32
          %add3A_223 = arith.constant 1 : i32
          %add3A_224 = arith.addi %while3A_106, %add3A_223 : i32
          %lt3A_225 = arith.cmpi slt, %add3A_224, %select_n3A : i32
          %and3A_226 = arith.andi %eq3A_222, %lt3A_225 : i1
          %convert_element_type3A_227 = arith.extui %and3A_226 : i1 to i32
          %cond3A_228 = arith.constant 0 : i32
          %cond3A_229 = arith.cmpi ne, %convert_element_type3A_227, %cond3A_228 : i32
          scf.if %cond3A_229 {
            %multiple_of3A_230 = arith.constant 64 : i32
            %multiple_of3A_231 = tpu.assume_multiple %multiple_of3A_230, 64 : i32
            %dma_start3A_232 = tpu.memref_slice %arg7[%multiple_of3A_231] : memref<1024xi32, #tpu.memory_space<vmem>> -> memref<64xi32, #tpu.memory_space<vmem>>
            %dma_start3A_233 = arith.constant 0 : i32
            %dma_start3A_234 = arith.constant 0 : i32
            %dma_start3A_235 = tpu.memref_slice %arg2[%dma_start3A_233, %dma_start3A_234] : memref<10240x128xf32, #tpu.memory_space<hbm>> -> memref<10240x128xf32, #tpu.memory_space<hbm>>
            tpu.enqueue_indirect_dma source(%dma_start3A_235 : memref<10240x128xf32, #tpu.memory_space<hbm>>) target(%arg11 : memref<64x128xf32, #tpu.memory_space<vmem>>) offsets(%dma_start3A_232 : memref<64xi32, #tpu.memory_space<vmem>>) semaphore(%arg14 : memref<!tpu.dma_semaphore, #tpu.memory_space<semaphore_mem>>)
          } else {
          }
        }
        %scan3A_154 = arith.constant 8 : i32
      } else {
      }
      %jit3A_122 = arith.constant 2 : i32
      %eq3A_123 = arith.constant 0 : i32
      %eq3A_124 = arith.cmpi eq, %jit3A_122, %eq3A_123 : i32
      %jit3A_125 = arith.constant 1 : i32
      %select_n3A_126 = arith.select %eq3A_124, %jit3A_125, %jit3A_122 : i32
      %rem3A_127 = arith.remsi %while3A_106, %select_n3A_126 : i32
      %ne3A_128 = arith.constant 0 : i32
      %ne3A_129 = arith.cmpi ne, %rem3A_127, %ne3A_128 : i32
      %lt3A_130 = arith.constant 0 : i32
      %lt3A_131 = arith.cmpi slt, %rem3A_127, %lt3A_130 : i32
      %lt3A_132 = arith.constant 0 : i32
      %lt3A_133 = arith.cmpi slt, %select_n3A_126, %lt3A_132 : i32
      %ne3A_134 = arith.xori %lt3A_131, %lt3A_133 : i1
      %and3A_135 = arith.andi %ne3A_134, %ne3A_129 : i1
      %add3A_136 = arith.addi %rem3A_127, %select_n3A_126 : i32
      %select_n3A_137 = arith.select %and3A_135, %add3A_136, %rem3A_127 : i32
      %eq3A_138 = arith.constant 1 : i32
      %eq3A_139 = arith.cmpi eq, %select_n3A_137, %eq3A_138 : i32
      %convert_element_type3A_140 = arith.extui %eq3A_139 : i1 to i32
      %cond3A_141 = arith.constant 0 : i32
      %cond3A_142 = arith.cmpi ne, %convert_element_type3A_140, %cond3A_141 : i32
      scf.if %cond3A_142 {
        %add3A_143 = arith.constant 1 : i32
        %add3A_144 = arith.addi %while3A_106, %add3A_143 : i32
        %lt3A_145 = arith.cmpi slt, %add3A_144, %select_n3A : i32
        %convert_element_type3A_146 = arith.extui %lt3A_145 : i1 to i32
        %cond3A_147 = arith.constant 0 : i32
        %cond3A_148 = arith.cmpi ne, %convert_element_type3A_146, %cond3A_147 : i32
        scf.if %cond3A_148 {
          %add3A_155 = arith.constant 1 : i32
          %add3A_156 = arith.addi %while3A_106, %add3A_155 : i32
          %mul3A_157 = arith.constant 16 : i32
          %mul3A_158 = arith.muli %add3A_156, %mul3A_157 : i32
          %add3A_159 = arith.addi %select_n3A_8, %mul3A_158 : i32
          %mul3A_160 = arith.constant 64 : i32
          %mul3A_161 = arith.muli %add3A_159, %mul3A_160 : i32
          %multiple_of3A_162 = tpu.assume_multiple %mul3A_161, 1024 : i32
          %dma_start3A_163 = tpu.memref_slice %arg3[%multiple_of3A_162] : memref<327680xi32, #tpu.memory_space<hbm>> -> memref<1024xi32, #tpu.memory_space<hbm>>
          %dma_start3A_164 = tpu.memref_slice %arg3[%multiple_of3A_162] : memref<327680xi32, #tpu.memory_space<hbm>> -> memref<1024xi32, #tpu.memory_space<hbm>>
          tpu.enqueue_dma source(%dma_start3A_164 : memref<1024xi32, #tpu.memory_space<hbm>>) target(%arg6 : memref<1024xi32, #tpu.memory_space<vmem>>) target_semaphore(%arg15 : memref<!tpu.dma_semaphore, #tpu.memory_space<semaphore_mem>>)
          %add3A_165 = arith.constant 1 : i32
          %add3A_166 = arith.addi %while3A_106, %add3A_165 : i32
          %mul3A_167 = arith.constant 16 : i32
          %mul3A_168 = arith.muli %add3A_166, %mul3A_167 : i32
          %add3A_169 = arith.addi %select_n3A_8, %mul3A_168 : i32
          %multiple_of3A_170 = tpu.assume_multiple %add3A_169, 16 : i32
          %dma_start3A_171 = arith.constant 0 : i32
          %dma_start3A_172 = tpu.memref_slice %arg4[%multiple_of3A_170, %dma_start3A_171] : memref<5120x64xi32, #tpu.memory_space<hbm>> -> memref<16x64xi32, #tpu.memory_space<hbm>>
          %dma_start3A_173 = arith.constant 0 : i32
          %dma_start3A_174 = tpu.memref_slice %arg4[%multiple_of3A_170, %dma_start3A_173] : memref<5120x64xi32, #tpu.memory_space<hbm>> -> memref<16x64xi32, #tpu.memory_space<hbm>>
          tpu.enqueue_dma source(%dma_start3A_174 : memref<16x64xi32, #tpu.memory_space<hbm>>) target(%arg8 : memref<16x64xi32, #tpu.memory_space<vmem>>) target_semaphore(%arg15 : memref<!tpu.dma_semaphore, #tpu.memory_space<semaphore_mem>>)
        } else {
        }
        %scan3A_149 = arith.constant 0 : i32
        %scan3A_150 = arith.constant 0 : i32
        %scan3A_151 = arith.constant 8 : i32
        %scan3A_152 = arith.addi %scan3A_150, %scan3A_151 : i32
        %scan3A_153 = arith.constant 1 : i32
        scf.for %scan3A_155 = %scan3A_150 to %scan3A_152 step %scan3A_153  : i32 {
          %mul3A_156 = arith.constant 2 : i32
          %mul3A_157 = arith.muli %scan3A_155, %mul3A_156 : i32
          %mul3A_158 = arith.constant 64 : i32
          %mul3A_159 = arith.muli %mul3A_157, %mul3A_158 : i32
          %multiple_of3A_160 = tpu.assume_multiple %mul3A_159, 64 : i32
          %dma_wait3A_161 = tpu.memref_slice %arg7[%multiple_of3A_160] : memref<1024xi32, #tpu.memory_space<vmem>> -> memref<64xi32, #tpu.memory_space<vmem>>
          %dma_wait3A_162 = arith.constant 0 : i32
          %dma_wait3A_163 = arith.constant 0 : i32
          %dma_wait3A_164 = tpu.memref_slice %arg2[%dma_wait3A_162, %dma_wait3A_163] : memref<10240x128xf32, #tpu.memory_space<hbm>> -> memref<10240x128xf32, #tpu.memory_space<hbm>>
          tpu.wait_indirect_dma semaphore(%arg13 : memref<!tpu.dma_semaphore, #tpu.memory_space<semaphore_mem>>) src(%dma_wait3A_164 : memref<10240x128xf32, #tpu.memory_space<hbm>>) dst(%arg10 : memref<64x128xf32, #tpu.memory_space<vmem>>)
          %dma_start3A_165 = arith.constant 0 : i32
          %dma_start3A_166 = tpu.memref_slice %arg9[%mul3A_157, %dma_start3A_165] : memref<16x64xi32, #tpu.memory_space<vmem>> -> memref<1x64xi32, #tpu.memory_space<vmem>>
          %dma_start3A_167 = tpu.memref_squeeze %dma_start3A_166 : memref<1x64xi32, #tpu.memory_space<vmem>> -> memref<64xi32, #tpu.memory_space<vmem>>
          %dma_start3A_168 = arith.constant 0 : i32
          %dma_start3A_169 = arith.constant 0 : i32
          %dma_start3A_170 = tpu.memref_slice %arg12[%dma_start3A_168, %dma_start3A_169] : memref<10240x128xf32, #tpu.memory_space<vmem_shared>> -> memref<10240x128xf32, #tpu.memory_space<vmem_shared>>
          tpu.enqueue_indirect_dma source(%arg10 : memref<64x128xf32, #tpu.memory_space<vmem>>) target(%dma_start3A_170 : memref<10240x128xf32, #tpu.memory_space<vmem_shared>>) offsets(%dma_start3A_167 : memref<64xi32, #tpu.memory_space<vmem>>) semaphore(%arg17 : memref<!tpu.dma_semaphore, #tpu.memory_space<semaphore_mem>>) {add = true}
          %add3A_171 = arith.constant 1 : i32
          %add3A_172 = arith.addi %mul3A_157, %add3A_171 : i32
          %mul3A_173 = arith.constant 64 : i32
          %mul3A_174 = arith.muli %add3A_172, %mul3A_173 : i32
          %multiple_of3A_175 = tpu.assume_multiple %mul3A_174, 64 : i32
          %dma_wait3A_176 = tpu.memref_slice %arg7[%multiple_of3A_175] : memref<1024xi32, #tpu.memory_space<vmem>> -> memref<64xi32, #tpu.memory_space<vmem>>
          %dma_wait3A_177 = arith.constant 0 : i32
          %dma_wait3A_178 = arith.constant 0 : i32
          %dma_wait3A_179 = tpu.memref_slice %arg2[%dma_wait3A_177, %dma_wait3A_178] : memref<10240x128xf32, #tpu.memory_space<hbm>> -> memref<10240x128xf32, #tpu.memory_space<hbm>>
          tpu.wait_indirect_dma semaphore(%arg14 : memref<!tpu.dma_semaphore, #tpu.memory_space<semaphore_mem>>) src(%dma_wait3A_179 : memref<10240x128xf32, #tpu.memory_space<hbm>>) dst(%arg11 : memref<64x128xf32, #tpu.memory_space<vmem>>)
          %add3A_180 = arith.constant 1 : i32
          %add3A_181 = arith.addi %mul3A_157, %add3A_180 : i32
          %dma_start3A_182 = arith.constant 0 : i32
          %dma_start3A_183 = tpu.memref_slice %arg9[%add3A_181, %dma_start3A_182] : memref<16x64xi32, #tpu.memory_space<vmem>> -> memref<1x64xi32, #tpu.memory_space<vmem>>
          %dma_start3A_184 = tpu.memref_squeeze %dma_start3A_183 : memref<1x64xi32, #tpu.memory_space<vmem>> -> memref<64xi32, #tpu.memory_space<vmem>>
          %dma_start3A_185 = arith.constant 0 : i32
          %dma_start3A_186 = arith.constant 0 : i32
          %dma_start3A_187 = tpu.memref_slice %arg12[%dma_start3A_185, %dma_start3A_186] : memref<10240x128xf32, #tpu.memory_space<vmem_shared>> -> memref<10240x128xf32, #tpu.memory_space<vmem_shared>>
          tpu.enqueue_indirect_dma source(%arg11 : memref<64x128xf32, #tpu.memory_space<vmem>>) target(%dma_start3A_187 : memref<10240x128xf32, #tpu.memory_space<vmem_shared>>) offsets(%dma_start3A_184 : memref<64xi32, #tpu.memory_space<vmem>>) semaphore(%arg18 : memref<!tpu.dma_semaphore, #tpu.memory_space<semaphore_mem>>) {add = true}
          %dma_wait3A_188 = arith.constant 0 : i32
          %dma_wait3A_189 = tpu.memref_slice %arg9[%mul3A_157, %dma_wait3A_188] : memref<16x64xi32, #tpu.memory_space<vmem>> -> memref<1x64xi32, #tpu.memory_space<vmem>>
          %dma_wait3A_190 = tpu.memref_squeeze %dma_wait3A_189 : memref<1x64xi32, #tpu.memory_space<vmem>> -> memref<64xi32, #tpu.memory_space<vmem>>
          %dma_wait3A_191 = arith.constant 0 : i32
          %dma_wait3A_192 = arith.constant 0 : i32
          %dma_wait3A_193 = tpu.memref_slice %arg12[%dma_wait3A_191, %dma_wait3A_192] : memref<10240x128xf32, #tpu.memory_space<vmem_shared>> -> memref<10240x128xf32, #tpu.memory_space<vmem_shared>>
          tpu.wait_indirect_dma semaphore(%arg17 : memref<!tpu.dma_semaphore, #tpu.memory_space<semaphore_mem>>) src(%arg10 : memref<64x128xf32, #tpu.memory_space<vmem>>) dst(%dma_wait3A_193 : memref<10240x128xf32, #tpu.memory_space<vmem_shared>>)
          %lt3A_194 = arith.constant 7 : i32
          %lt3A_195 = arith.cmpi slt, %scan3A_155, %lt3A_194 : i32
          %convert_element_type3A_196 = arith.extui %lt3A_195 : i1 to i32
          %cond3A_197 = arith.constant 0 : i32
          %cond3A_198 = arith.cmpi ne, %convert_element_type3A_196, %cond3A_197 : i32
          scf.if %cond3A_198 {
            %add3A_230 = arith.constant 2 : i32
            %add3A_231 = arith.addi %mul3A_157, %add3A_230 : i32
            %mul3A_232 = arith.constant 64 : i32
            %mul3A_233 = arith.muli %add3A_231, %mul3A_232 : i32
            %multiple_of3A_234 = tpu.assume_multiple %mul3A_233, 64 : i32
            %dma_start3A_235 = tpu.memref_slice %arg7[%multiple_of3A_234] : memref<1024xi32, #tpu.memory_space<vmem>> -> memref<64xi32, #tpu.memory_space<vmem>>
            %dma_start3A_236 = arith.constant 0 : i32
            %dma_start3A_237 = arith.constant 0 : i32
            %dma_start3A_238 = tpu.memref_slice %arg2[%dma_start3A_236, %dma_start3A_237] : memref<10240x128xf32, #tpu.memory_space<hbm>> -> memref<10240x128xf32, #tpu.memory_space<hbm>>
            tpu.enqueue_indirect_dma source(%dma_start3A_238 : memref<10240x128xf32, #tpu.memory_space<hbm>>) target(%arg10 : memref<64x128xf32, #tpu.memory_space<vmem>>) offsets(%dma_start3A_235 : memref<64xi32, #tpu.memory_space<vmem>>) semaphore(%arg13 : memref<!tpu.dma_semaphore, #tpu.memory_space<semaphore_mem>>)
          } else {
          }
          %eq3A_199 = arith.constant 7 : i32
          %eq3A_200 = arith.cmpi eq, %scan3A_155, %eq3A_199 : i32
          %add3A_201 = arith.constant 1 : i32
          %add3A_202 = arith.addi %while3A_106, %add3A_201 : i32
          %lt3A_203 = arith.cmpi slt, %add3A_202, %select_n3A : i32
          %and3A_204 = arith.andi %eq3A_200, %lt3A_203 : i1
          %convert_element_type3A_205 = arith.extui %and3A_204 : i1 to i32
          %cond3A_206 = arith.constant 0 : i32
          %cond3A_207 = arith.cmpi ne, %convert_element_type3A_205, %cond3A_206 : i32
          scf.if %cond3A_207 {
            %add3A_230 = arith.constant 1 : i32
            %add3A_231 = arith.addi %while3A_106, %add3A_230 : i32
            %mul3A_232 = arith.constant 16 : i32
            %mul3A_233 = arith.muli %add3A_231, %mul3A_232 : i32
            %add3A_234 = arith.addi %select_n3A_8, %mul3A_233 : i32
            %mul3A_235 = arith.constant 64 : i32
            %mul3A_236 = arith.muli %add3A_234, %mul3A_235 : i32
            %multiple_of3A_237 = tpu.assume_multiple %mul3A_236, 1024 : i32
            %dma_wait3A_238 = tpu.memref_slice %arg3[%multiple_of3A_237] : memref<327680xi32, #tpu.memory_space<hbm>> -> memref<1024xi32, #tpu.memory_space<hbm>>
            %dma_wait3A_239 = tpu.memref_slice %arg3[%multiple_of3A_237] : memref<327680xi32, #tpu.memory_space<hbm>> -> memref<1024xi32, #tpu.memory_space<hbm>>
            tpu.wait_dma2 semaphore(%arg15 : memref<!tpu.dma_semaphore, #tpu.memory_space<semaphore_mem>>) src(%dma_wait3A_239 : memref<1024xi32, #tpu.memory_space<hbm>>) dst(%arg6 : memref<1024xi32, #tpu.memory_space<vmem>>)
            %add3A_240 = arith.constant 1 : i32
            %add3A_241 = arith.addi %while3A_106, %add3A_240 : i32
            %mul3A_242 = arith.constant 16 : i32
            %mul3A_243 = arith.muli %add3A_241, %mul3A_242 : i32
            %add3A_244 = arith.addi %select_n3A_8, %mul3A_243 : i32
            %multiple_of3A_245 = tpu.assume_multiple %add3A_244, 16 : i32
            %dma_wait3A_246 = arith.constant 0 : i32
            %dma_wait3A_247 = tpu.memref_slice %arg4[%multiple_of3A_245, %dma_wait3A_246] : memref<5120x64xi32, #tpu.memory_space<hbm>> -> memref<16x64xi32, #tpu.memory_space<hbm>>
            %dma_wait3A_248 = arith.constant 0 : i32
            %dma_wait3A_249 = tpu.memref_slice %arg4[%multiple_of3A_245, %dma_wait3A_248] : memref<5120x64xi32, #tpu.memory_space<hbm>> -> memref<16x64xi32, #tpu.memory_space<hbm>>
            tpu.wait_dma2 semaphore(%arg15 : memref<!tpu.dma_semaphore, #tpu.memory_space<semaphore_mem>>) src(%dma_wait3A_249 : memref<16x64xi32, #tpu.memory_space<hbm>>) dst(%arg8 : memref<16x64xi32, #tpu.memory_space<vmem>>)
            %multiple_of3A_250 = arith.constant 0 : i32
            %multiple_of3A_251 = tpu.assume_multiple %multiple_of3A_250, 64 : i32
            %dma_start3A_252 = tpu.memref_slice %arg6[%multiple_of3A_251] : memref<1024xi32, #tpu.memory_space<vmem>> -> memref<64xi32, #tpu.memory_space<vmem>>
            %dma_start3A_253 = arith.constant 0 : i32
            %dma_start3A_254 = arith.constant 0 : i32
            %dma_start3A_255 = tpu.memref_slice %arg2[%dma_start3A_253, %dma_start3A_254] : memref<10240x128xf32, #tpu.memory_space<hbm>> -> memref<10240x128xf32, #tpu.memory_space<hbm>>
            tpu.enqueue_indirect_dma source(%dma_start3A_255 : memref<10240x128xf32, #tpu.memory_space<hbm>>) target(%arg10 : memref<64x128xf32, #tpu.memory_space<vmem>>) offsets(%dma_start3A_252 : memref<64xi32, #tpu.memory_space<vmem>>) semaphore(%arg13 : memref<!tpu.dma_semaphore, #tpu.memory_space<semaphore_mem>>)
          } else {
          }
          %add3A_208 = arith.constant 1 : i32
          %add3A_209 = arith.addi %mul3A_157, %add3A_208 : i32
          %dma_wait3A_210 = arith.constant 0 : i32
          %dma_wait3A_211 = tpu.memref_slice %arg9[%add3A_209, %dma_wait3A_210] : memref<16x64xi32, #tpu.memory_space<vmem>> -> memref<1x64xi32, #tpu.memory_space<vmem>>
          %dma_wait3A_212 = tpu.memref_squeeze %dma_wait3A_211 : memref<1x64xi32, #tpu.memory_space<vmem>> -> memref<64xi32, #tpu.memory_space<vmem>>
          %dma_wait3A_213 = arith.constant 0 : i32
          %dma_wait3A_214 = arith.constant 0 : i32
          %dma_wait3A_215 = tpu.memref_slice %arg12[%dma_wait3A_213, %dma_wait3A_214] : memref<10240x128xf32, #tpu.memory_space<vmem_shared>> -> memref<10240x128xf32, #tpu.memory_space<vmem_shared>>
          tpu.wait_indirect_dma semaphore(%arg18 : memref<!tpu.dma_semaphore, #tpu.memory_space<semaphore_mem>>) src(%arg11 : memref<64x128xf32, #tpu.memory_space<vmem>>) dst(%dma_wait3A_215 : memref<10240x128xf32, #tpu.memory_space<vmem_shared>>)
          %lt3A_216 = arith.constant 7 : i32
          %lt3A_217 = arith.cmpi slt, %scan3A_155, %lt3A_216 : i32
          %convert_element_type3A_218 = arith.extui %lt3A_217 : i1 to i32
          %cond3A_219 = arith.constant 0 : i32
          %cond3A_220 = arith.cmpi ne, %convert_element_type3A_218, %cond3A_219 : i32
          scf.if %cond3A_220 {
            %add3A_230 = arith.constant 3 : i32
            %add3A_231 = arith.addi %mul3A_157, %add3A_230 : i32
            %mul3A_232 = arith.constant 64 : i32
            %mul3A_233 = arith.muli %add3A_231, %mul3A_232 : i32
            %multiple_of3A_234 = tpu.assume_multiple %mul3A_233, 64 : i32
            %dma_start3A_235 = tpu.memref_slice %arg7[%multiple_of3A_234] : memref<1024xi32, #tpu.memory_space<vmem>> -> memref<64xi32, #tpu.memory_space<vmem>>
            %dma_start3A_236 = arith.constant 0 : i32
            %dma_start3A_237 = arith.constant 0 : i32
            %dma_start3A_238 = tpu.memref_slice %arg2[%dma_start3A_236, %dma_start3A_237] : memref<10240x128xf32, #tpu.memory_space<hbm>> -> memref<10240x128xf32, #tpu.memory_space<hbm>>
            tpu.enqueue_indirect_dma source(%dma_start3A_238 : memref<10240x128xf32, #tpu.memory_space<hbm>>) target(%arg11 : memref<64x128xf32, #tpu.memory_space<vmem>>) offsets(%dma_start3A_235 : memref<64xi32, #tpu.memory_space<vmem>>) semaphore(%arg14 : memref<!tpu.dma_semaphore, #tpu.memory_space<semaphore_mem>>)
          } else {
          }
          %eq3A_221 = arith.constant 7 : i32
          %eq3A_222 = arith.cmpi eq, %scan3A_155, %eq3A_221 : i32
          %add3A_223 = arith.constant 1 : i32
          %add3A_224 = arith.addi %while3A_106, %add3A_223 : i32
          %lt3A_225 = arith.cmpi slt, %add3A_224, %select_n3A : i32
          %and3A_226 = arith.andi %eq3A_222, %lt3A_225 : i1
          %convert_element_type3A_227 = arith.extui %and3A_226 : i1 to i32
          %cond3A_228 = arith.constant 0 : i32
          %cond3A_229 = arith.cmpi ne, %convert_element_type3A_227, %cond3A_228 : i32
          scf.if %cond3A_229 {
            %multiple_of3A_230 = arith.constant 64 : i32
            %multiple_of3A_231 = tpu.assume_multiple %multiple_of3A_230, 64 : i32
            %dma_start3A_232 = tpu.memref_slice %arg6[%multiple_of3A_231] : memref<1024xi32, #tpu.memory_space<vmem>> -> memref<64xi32, #tpu.memory_space<vmem>>
            %dma_start3A_233 = arith.constant 0 : i32
            %dma_start3A_234 = arith.constant 0 : i32
            %dma_start3A_235 = tpu.memref_slice %arg2[%dma_start3A_233, %dma_start3A_234] : memref<10240x128xf32, #tpu.memory_space<hbm>> -> memref<10240x128xf32, #tpu.memory_space<hbm>>
            tpu.enqueue_indirect_dma source(%dma_start3A_235 : memref<10240x128xf32, #tpu.memory_space<hbm>>) target(%arg11 : memref<64x128xf32, #tpu.memory_space<vmem>>) offsets(%dma_start3A_232 : memref<64xi32, #tpu.memory_space<vmem>>) semaphore(%arg14 : memref<!tpu.dma_semaphore, #tpu.memory_space<semaphore_mem>>)
          } else {
          }
        }
        %scan3A_154 = arith.constant 8 : i32
      } else {
      }
    }
    %while3A_100 = arith.constant 1 : i32
    scf.for %while3A_106 = %while3A_98 to %while3A_94 step %while3A_100  : i32 {
      %jit3A_107 = arith.constant 2 : i32
      %eq3A_108 = arith.constant 0 : i32
      %eq3A_109 = arith.cmpi eq, %jit3A_107, %eq3A_108 : i32
      %jit3A_110 = arith.constant 1 : i32
      %select_n3A_111 = arith.select %eq3A_109, %jit3A_110, %jit3A_107 : i32
      %rem3A = arith.remsi %while3A_106, %select_n3A_111 : i32
      %ne3A = arith.constant 0 : i32
      %ne3A_112 = arith.cmpi ne, %rem3A, %ne3A : i32
      %lt3A = arith.constant 0 : i32
      %lt3A_113 = arith.cmpi slt, %rem3A, %lt3A : i32
      %lt3A_114 = arith.constant 0 : i32
      %lt3A_115 = arith.cmpi slt, %select_n3A_111, %lt3A_114 : i32
      %ne3A_116 = arith.xori %lt3A_113, %lt3A_115 : i1
      %and3A = arith.andi %ne3A_116, %ne3A_112 : i1
      %add3A_117 = arith.addi %rem3A, %select_n3A_111 : i32
      %select_n3A_118 = arith.select %and3A, %add3A_117, %rem3A : i32
      %eq3A_119 = arith.constant 0 : i32
      %eq3A_120 = arith.cmpi eq, %select_n3A_118, %eq3A_119 : i32
      %convert_element_type3A = arith.extui %eq3A_120 : i1 to i32
      %cond3A = arith.constant 0 : i32
      %cond3A_121 = arith.cmpi ne, %convert_element_type3A, %cond3A : i32
      scf.if %cond3A_121 {
        %add3A_143 = arith.constant 1 : i32
        %add3A_144 = arith.addi %while3A_106, %add3A_143 : i32
        %lt3A_145 = arith.cmpi slt, %add3A_144, %select_n3A : i32
        %convert_element_type3A_146 = arith.extui %lt3A_145 : i1 to i32
        %cond3A_147 = arith.constant 0 : i32
        %cond3A_148 = arith.cmpi ne, %convert_element_type3A_146, %cond3A_147 : i32
        scf.if %cond3A_148 {
          %add3A_155 = arith.constant 1 : i32
          %add3A_156 = arith.addi %while3A_106, %add3A_155 : i32
          %mul3A_157 = arith.constant 16 : i32
          %mul3A_158 = arith.muli %add3A_156, %mul3A_157 : i32
          %add3A_159 = arith.addi %select_n3A_8, %mul3A_158 : i32
          %mul3A_160 = arith.constant 64 : i32
          %mul3A_161 = arith.muli %add3A_159, %mul3A_160 : i32
          %multiple_of3A_162 = tpu.assume_multiple %mul3A_161, 1024 : i32
          %dma_start3A_163 = tpu.memref_slice %arg3[%multiple_of3A_162] : memref<327680xi32, #tpu.memory_space<hbm>> -> memref<1024xi32, #tpu.memory_space<hbm>>
          %dma_start3A_164 = tpu.memref_slice %arg3[%multiple_of3A_162] : memref<327680xi32, #tpu.memory_space<hbm>> -> memref<1024xi32, #tpu.memory_space<hbm>>
          tpu.enqueue_dma source(%dma_start3A_164 : memref<1024xi32, #tpu.memory_space<hbm>>) target(%arg7 : memref<1024xi32, #tpu.memory_space<vmem>>) target_semaphore(%arg16 : memref<!tpu.dma_semaphore, #tpu.memory_space<semaphore_mem>>)
          %add3A_165 = arith.constant 1 : i32
          %add3A_166 = arith.addi %while3A_106, %add3A_165 : i32
          %mul3A_167 = arith.constant 16 : i32
          %mul3A_168 = arith.muli %add3A_166, %mul3A_167 : i32
          %add3A_169 = arith.addi %select_n3A_8, %mul3A_168 : i32
          %multiple_of3A_170 = tpu.assume_multiple %add3A_169, 16 : i32
          %dma_start3A_171 = arith.constant 0 : i32
          %dma_start3A_172 = tpu.memref_slice %arg4[%multiple_of3A_170, %dma_start3A_171] : memref<5120x64xi32, #tpu.memory_space<hbm>> -> memref<16x64xi32, #tpu.memory_space<hbm>>
          %dma_start3A_173 = arith.constant 0 : i32
          %dma_start3A_174 = tpu.memref_slice %arg4[%multiple_of3A_170, %dma_start3A_173] : memref<5120x64xi32, #tpu.memory_space<hbm>> -> memref<16x64xi32, #tpu.memory_space<hbm>>
          tpu.enqueue_dma source(%dma_start3A_174 : memref<16x64xi32, #tpu.memory_space<hbm>>) target(%arg9 : memref<16x64xi32, #tpu.memory_space<vmem>>) target_semaphore(%arg16 : memref<!tpu.dma_semaphore, #tpu.memory_space<semaphore_mem>>)
        } else {
        }
        %scan3A_149 = arith.constant 0 : i32
        %scan3A_150 = arith.constant 0 : i32
        %scan3A_151 = arith.constant 8 : i32
        %scan3A_152 = arith.addi %scan3A_150, %scan3A_151 : i32
        %scan3A_153 = arith.constant 1 : i32
        scf.for %scan3A_155 = %scan3A_150 to %scan3A_152 step %scan3A_153  : i32 {
          %mul3A_156 = arith.constant 2 : i32
          %mul3A_157 = arith.muli %scan3A_155, %mul3A_156 : i32
          %mul3A_158 = arith.constant 64 : i32
          %mul3A_159 = arith.muli %mul3A_157, %mul3A_158 : i32
          %multiple_of3A_160 = tpu.assume_multiple %mul3A_159, 64 : i32
          %dma_wait3A_161 = tpu.memref_slice %arg6[%multiple_of3A_160] : memref<1024xi32, #tpu.memory_space<vmem>> -> memref<64xi32, #tpu.memory_space<vmem>>
          %dma_wait3A_162 = arith.constant 0 : i32
          %dma_wait3A_163 = arith.constant 0 : i32
          %dma_wait3A_164 = tpu.memref_slice %arg2[%dma_wait3A_162, %dma_wait3A_163] : memref<10240x128xf32, #tpu.memory_space<hbm>> -> memref<10240x128xf32, #tpu.memory_space<hbm>>
          tpu.wait_indirect_dma semaphore(%arg13 : memref<!tpu.dma_semaphore, #tpu.memory_space<semaphore_mem>>) src(%dma_wait3A_164 : memref<10240x128xf32, #tpu.memory_space<hbm>>) dst(%arg10 : memref<64x128xf32, #tpu.memory_space<vmem>>)
          %dma_start3A_165 = arith.constant 0 : i32
          %dma_start3A_166 = tpu.memref_slice %arg8[%mul3A_157, %dma_start3A_165] : memref<16x64xi32, #tpu.memory_space<vmem>> -> memref<1x64xi32, #tpu.memory_space<vmem>>
          %dma_start3A_167 = tpu.memref_squeeze %dma_start3A_166 : memref<1x64xi32, #tpu.memory_space<vmem>> -> memref<64xi32, #tpu.memory_space<vmem>>
          %dma_start3A_168 = arith.constant 0 : i32
          %dma_start3A_169 = arith.constant 0 : i32
          %dma_start3A_170 = tpu.memref_slice %arg12[%dma_start3A_168, %dma_start3A_169] : memref<10240x128xf32, #tpu.memory_space<vmem_shared>> -> memref<10240x128xf32, #tpu.memory_space<vmem_shared>>
          tpu.enqueue_indirect_dma source(%arg10 : memref<64x128xf32, #tpu.memory_space<vmem>>) target(%dma_start3A_170 : memref<10240x128xf32, #tpu.memory_space<vmem_shared>>) offsets(%dma_start3A_167 : memref<64xi32, #tpu.memory_space<vmem>>) semaphore(%arg17 : memref<!tpu.dma_semaphore, #tpu.memory_space<semaphore_mem>>) {add = true}
          %add3A_171 = arith.constant 1 : i32
          %add3A_172 = arith.addi %mul3A_157, %add3A_171 : i32
          %mul3A_173 = arith.constant 64 : i32
          %mul3A_174 = arith.muli %add3A_172, %mul3A_173 : i32
          %multiple_of3A_175 = tpu.assume_multiple %mul3A_174, 64 : i32
          %dma_wait3A_176 = tpu.memref_slice %arg6[%multiple_of3A_175] : memref<1024xi32, #tpu.memory_space<vmem>> -> memref<64xi32, #tpu.memory_space<vmem>>
          %dma_wait3A_177 = arith.constant 0 : i32
          %dma_wait3A_178 = arith.constant 0 : i32
          %dma_wait3A_179 = tpu.memref_slice %arg2[%dma_wait3A_177, %dma_wait3A_178] : memref<10240x128xf32, #tpu.memory_space<hbm>> -> memref<10240x128xf32, #tpu.memory_space<hbm>>
          tpu.wait_indirect_dma semaphore(%arg14 : memref<!tpu.dma_semaphore, #tpu.memory_space<semaphore_mem>>) src(%dma_wait3A_179 : memref<10240x128xf32, #tpu.memory_space<hbm>>) dst(%arg11 : memref<64x128xf32, #tpu.memory_space<vmem>>)
          %add3A_180 = arith.constant 1 : i32
          %add3A_181 = arith.addi %mul3A_157, %add3A_180 : i32
          %dma_start3A_182 = arith.constant 0 : i32
          %dma_start3A_183 = tpu.memref_slice %arg8[%add3A_181, %dma_start3A_182] : memref<16x64xi32, #tpu.memory_space<vmem>> -> memref<1x64xi32, #tpu.memory_space<vmem>>
          %dma_start3A_184 = tpu.memref_squeeze %dma_start3A_183 : memref<1x64xi32, #tpu.memory_space<vmem>> -> memref<64xi32, #tpu.memory_space<vmem>>
          %dma_start3A_185 = arith.constant 0 : i32
          %dma_start3A_186 = arith.constant 0 : i32
          %dma_start3A_187 = tpu.memref_slice %arg12[%dma_start3A_185, %dma_start3A_186] : memref<10240x128xf32, #tpu.memory_space<vmem_shared>> -> memref<10240x128xf32, #tpu.memory_space<vmem_shared>>
          tpu.enqueue_indirect_dma source(%arg11 : memref<64x128xf32, #tpu.memory_space<vmem>>) target(%dma_start3A_187 : memref<10240x128xf32, #tpu.memory_space<vmem_shared>>) offsets(%dma_start3A_184 : memref<64xi32, #tpu.memory_space<vmem>>) semaphore(%arg18 : memref<!tpu.dma_semaphore, #tpu.memory_space<semaphore_mem>>) {add = true}
          %dma_wait3A_188 = arith.constant 0 : i32
          %dma_wait3A_189 = tpu.memref_slice %arg8[%mul3A_157, %dma_wait3A_188] : memref<16x64xi32, #tpu.memory_space<vmem>> -> memref<1x64xi32, #tpu.memory_space<vmem>>
          %dma_wait3A_190 = tpu.memref_squeeze %dma_wait3A_189 : memref<1x64xi32, #tpu.memory_space<vmem>> -> memref<64xi32, #tpu.memory_space<vmem>>
          %dma_wait3A_191 = arith.constant 0 : i32
          %dma_wait3A_192 = arith.constant 0 : i32
          %dma_wait3A_193 = tpu.memref_slice %arg12[%dma_wait3A_191, %dma_wait3A_192] : memref<10240x128xf32, #tpu.memory_space<vmem_shared>> -> memref<10240x128xf32, #tpu.memory_space<vmem_shared>>
          tpu.wait_indirect_dma semaphore(%arg17 : memref<!tpu.dma_semaphore, #tpu.memory_space<semaphore_mem>>) src(%arg10 : memref<64x128xf32, #tpu.memory_space<vmem>>) dst(%dma_wait3A_193 : memref<10240x128xf32, #tpu.memory_space<vmem_shared>>)
          %lt3A_194 = arith.constant 7 : i32
          %lt3A_195 = arith.cmpi slt, %scan3A_155, %lt3A_194 : i32
          %convert_element_type3A_196 = arith.extui %lt3A_195 : i1 to i32
          %cond3A_197 = arith.constant 0 : i32
          %cond3A_198 = arith.cmpi ne, %convert_element_type3A_196, %cond3A_197 : i32
          scf.if %cond3A_198 {
            %add3A_230 = arith.constant 2 : i32
            %add3A_231 = arith.addi %mul3A_157, %add3A_230 : i32
            %mul3A_232 = arith.constant 64 : i32
            %mul3A_233 = arith.muli %add3A_231, %mul3A_232 : i32
            %multiple_of3A_234 = tpu.assume_multiple %mul3A_233, 64 : i32
            %dma_start3A_235 = tpu.memref_slice %arg6[%multiple_of3A_234] : memref<1024xi32, #tpu.memory_space<vmem>> -> memref<64xi32, #tpu.memory_space<vmem>>
            %dma_start3A_236 = arith.constant 0 : i32
            %dma_start3A_237 = arith.constant 0 : i32
            %dma_start3A_238 = tpu.memref_slice %arg2[%dma_start3A_236, %dma_start3A_237] : memref<10240x128xf32, #tpu.memory_space<hbm>> -> memref<10240x128xf32, #tpu.memory_space<hbm>>
            tpu.enqueue_indirect_dma source(%dma_start3A_238 : memref<10240x128xf32, #tpu.memory_space<hbm>>) target(%arg10 : memref<64x128xf32, #tpu.memory_space<vmem>>) offsets(%dma_start3A_235 : memref<64xi32, #tpu.memory_space<vmem>>) semaphore(%arg13 : memref<!tpu.dma_semaphore, #tpu.memory_space<semaphore_mem>>)
          } else {
          }
          %eq3A_199 = arith.constant 7 : i32
          %eq3A_200 = arith.cmpi eq, %scan3A_155, %eq3A_199 : i32
          %add3A_201 = arith.constant 1 : i32
          %add3A_202 = arith.addi %while3A_106, %add3A_201 : i32
          %lt3A_203 = arith.cmpi slt, %add3A_202, %select_n3A : i32
          %and3A_204 = arith.andi %eq3A_200, %lt3A_203 : i1
          %convert_element_type3A_205 = arith.extui %and3A_204 : i1 to i32
          %cond3A_206 = arith.constant 0 : i32
          %cond3A_207 = arith.cmpi ne, %convert_element_type3A_205, %cond3A_206 : i32
          scf.if %cond3A_207 {
            %add3A_230 = arith.constant 1 : i32
            %add3A_231 = arith.addi %while3A_106, %add3A_230 : i32
            %mul3A_232 = arith.constant 16 : i32
            %mul3A_233 = arith.muli %add3A_231, %mul3A_232 : i32
            %add3A_234 = arith.addi %select_n3A_8, %mul3A_233 : i32
            %mul3A_235 = arith.constant 64 : i32
            %mul3A_236 = arith.muli %add3A_234, %mul3A_235 : i32
            %multiple_of3A_237 = tpu.assume_multiple %mul3A_236, 1024 : i32
            %dma_wait3A_238 = tpu.memref_slice %arg3[%multiple_of3A_237] : memref<327680xi32, #tpu.memory_space<hbm>> -> memref<1024xi32, #tpu.memory_space<hbm>>
            %dma_wait3A_239 = tpu.memref_slice %arg3[%multiple_of3A_237] : memref<327680xi32, #tpu.memory_space<hbm>> -> memref<1024xi32, #tpu.memory_space<hbm>>
            tpu.wait_dma2 semaphore(%arg16 : memref<!tpu.dma_semaphore, #tpu.memory_space<semaphore_mem>>) src(%dma_wait3A_239 : memref<1024xi32, #tpu.memory_space<hbm>>) dst(%arg7 : memref<1024xi32, #tpu.memory_space<vmem>>)
            %add3A_240 = arith.constant 1 : i32
            %add3A_241 = arith.addi %while3A_106, %add3A_240 : i32
            %mul3A_242 = arith.constant 16 : i32
            %mul3A_243 = arith.muli %add3A_241, %mul3A_242 : i32
            %add3A_244 = arith.addi %select_n3A_8, %mul3A_243 : i32
            %multiple_of3A_245 = tpu.assume_multiple %add3A_244, 16 : i32
            %dma_wait3A_246 = arith.constant 0 : i32
            %dma_wait3A_247 = tpu.memref_slice %arg4[%multiple_of3A_245, %dma_wait3A_246] : memref<5120x64xi32, #tpu.memory_space<hbm>> -> memref<16x64xi32, #tpu.memory_space<hbm>>
            %dma_wait3A_248 = arith.constant 0 : i32
            %dma_wait3A_249 = tpu.memref_slice %arg4[%multiple_of3A_245, %dma_wait3A_248] : memref<5120x64xi32, #tpu.memory_space<hbm>> -> memref<16x64xi32, #tpu.memory_space<hbm>>
            tpu.wait_dma2 semaphore(%arg16 : memref<!tpu.dma_semaphore, #tpu.memory_space<semaphore_mem>>) src(%dma_wait3A_249 : memref<16x64xi32, #tpu.memory_space<hbm>>) dst(%arg9 : memref<16x64xi32, #tpu.memory_space<vmem>>)
            %multiple_of3A_250 = arith.constant 0 : i32
            %multiple_of3A_251 = tpu.assume_multiple %multiple_of3A_250, 64 : i32
            %dma_start3A_252 = tpu.memref_slice %arg7[%multiple_of3A_251] : memref<1024xi32, #tpu.memory_space<vmem>> -> memref<64xi32, #tpu.memory_space<vmem>>
            %dma_start3A_253 = arith.constant 0 : i32
            %dma_start3A_254 = arith.constant 0 : i32
            %dma_start3A_255 = tpu.memref_slice %arg2[%dma_start3A_253, %dma_start3A_254] : memref<10240x128xf32, #tpu.memory_space<hbm>> -> memref<10240x128xf32, #tpu.memory_space<hbm>>
            tpu.enqueue_indirect_dma source(%dma_start3A_255 : memref<10240x128xf32, #tpu.memory_space<hbm>>) target(%arg10 : memref<64x128xf32, #tpu.memory_space<vmem>>) offsets(%dma_start3A_252 : memref<64xi32, #tpu.memory_space<vmem>>) semaphore(%arg13 : memref<!tpu.dma_semaphore, #tpu.memory_space<semaphore_mem>>)
          } else {
          }
          %add3A_208 = arith.constant 1 : i32
          %add3A_209 = arith.addi %mul3A_157, %add3A_208 : i32
          %dma_wait3A_210 = arith.constant 0 : i32
          %dma_wait3A_211 = tpu.memref_slice %arg8[%add3A_209, %dma_wait3A_210] : memref<16x64xi32, #tpu.memory_space<vmem>> -> memref<1x64xi32, #tpu.memory_space<vmem>>
          %dma_wait3A_212 = tpu.memref_squeeze %dma_wait3A_211 : memref<1x64xi32, #tpu.memory_space<vmem>> -> memref<64xi32, #tpu.memory_space<vmem>>
          %dma_wait3A_213 = arith.constant 0 : i32
          %dma_wait3A_214 = arith.constant 0 : i32
          %dma_wait3A_215 = tpu.memref_slice %arg12[%dma_wait3A_213, %dma_wait3A_214] : memref<10240x128xf32, #tpu.memory_space<vmem_shared>> -> memref<10240x128xf32, #tpu.memory_space<vmem_shared>>
          tpu.wait_indirect_dma semaphore(%arg18 : memref<!tpu.dma_semaphore, #tpu.memory_space<semaphore_mem>>) src(%arg11 : memref<64x128xf32, #tpu.memory_space<vmem>>) dst(%dma_wait3A_215 : memref<10240x128xf32, #tpu.memory_space<vmem_shared>>)
          %lt3A_216 = arith.constant 7 : i32
          %lt3A_217 = arith.cmpi slt, %scan3A_155, %lt3A_216 : i32
          %convert_element_type3A_218 = arith.extui %lt3A_217 : i1 to i32
          %cond3A_219 = arith.constant 0 : i32
          %cond3A_220 = arith.cmpi ne, %convert_element_type3A_218, %cond3A_219 : i32
          scf.if %cond3A_220 {
            %add3A_230 = arith.constant 3 : i32
            %add3A_231 = arith.addi %mul3A_157, %add3A_230 : i32
            %mul3A_232 = arith.constant 64 : i32
            %mul3A_233 = arith.muli %add3A_231, %mul3A_232 : i32
            %multiple_of3A_234 = tpu.assume_multiple %mul3A_233, 64 : i32
            %dma_start3A_235 = tpu.memref_slice %arg6[%multiple_of3A_234] : memref<1024xi32, #tpu.memory_space<vmem>> -> memref<64xi32, #tpu.memory_space<vmem>>
            %dma_start3A_236 = arith.constant 0 : i32
            %dma_start3A_237 = arith.constant 0 : i32
            %dma_start3A_238 = tpu.memref_slice %arg2[%dma_start3A_236, %dma_start3A_237] : memref<10240x128xf32, #tpu.memory_space<hbm>> -> memref<10240x128xf32, #tpu.memory_space<hbm>>
            tpu.enqueue_indirect_dma source(%dma_start3A_238 : memref<10240x128xf32, #tpu.memory_space<hbm>>) target(%arg11 : memref<64x128xf32, #tpu.memory_space<vmem>>) offsets(%dma_start3A_235 : memref<64xi32, #tpu.memory_space<vmem>>) semaphore(%arg14 : memref<!tpu.dma_semaphore, #tpu.memory_space<semaphore_mem>>)
          } else {
          }
          %eq3A_221 = arith.constant 7 : i32
          %eq3A_222 = arith.cmpi eq, %scan3A_155, %eq3A_221 : i32
          %add3A_223 = arith.constant 1 : i32
          %add3A_224 = arith.addi %while3A_106, %add3A_223 : i32
          %lt3A_225 = arith.cmpi slt, %add3A_224, %select_n3A : i32
          %and3A_226 = arith.andi %eq3A_222, %lt3A_225 : i1
          %convert_element_type3A_227 = arith.extui %and3A_226 : i1 to i32
          %cond3A_228 = arith.constant 0 : i32
          %cond3A_229 = arith.cmpi ne, %convert_element_type3A_227, %cond3A_228 : i32
          scf.if %cond3A_229 {
            %multiple_of3A_230 = arith.constant 64 : i32
            %multiple_of3A_231 = tpu.assume_multiple %multiple_of3A_230, 64 : i32
            %dma_start3A_232 = tpu.memref_slice %arg7[%multiple_of3A_231] : memref<1024xi32, #tpu.memory_space<vmem>> -> memref<64xi32, #tpu.memory_space<vmem>>
            %dma_start3A_233 = arith.constant 0 : i32
            %dma_start3A_234 = arith.constant 0 : i32
            %dma_start3A_235 = tpu.memref_slice %arg2[%dma_start3A_233, %dma_start3A_234] : memref<10240x128xf32, #tpu.memory_space<hbm>> -> memref<10240x128xf32, #tpu.memory_space<hbm>>
            tpu.enqueue_indirect_dma source(%dma_start3A_235 : memref<10240x128xf32, #tpu.memory_space<hbm>>) target(%arg11 : memref<64x128xf32, #tpu.memory_space<vmem>>) offsets(%dma_start3A_232 : memref<64xi32, #tpu.memory_space<vmem>>) semaphore(%arg14 : memref<!tpu.dma_semaphore, #tpu.memory_space<semaphore_mem>>)
          } else {
          }
        }
        %scan3A_154 = arith.constant 8 : i32
      } else {
      }
      %jit3A_122 = arith.constant 2 : i32
      %eq3A_123 = arith.constant 0 : i32
      %eq3A_124 = arith.cmpi eq, %jit3A_122, %eq3A_123 : i32
      %jit3A_125 = arith.constant 1 : i32
      %select_n3A_126 = arith.select %eq3A_124, %jit3A_125, %jit3A_122 : i32
      %rem3A_127 = arith.remsi %while3A_106, %select_n3A_126 : i32
      %ne3A_128 = arith.constant 0 : i32
      %ne3A_129 = arith.cmpi ne, %rem3A_127, %ne3A_128 : i32
      %lt3A_130 = arith.constant 0 : i32
      %lt3A_131 = arith.cmpi slt, %rem3A_127, %lt3A_130 : i32
      %lt3A_132 = arith.constant 0 : i32
      %lt3A_133 = arith.cmpi slt, %select_n3A_126, %lt3A_132 : i32
      %ne3A_134 = arith.xori %lt3A_131, %lt3A_133 : i1
      %and3A_135 = arith.andi %ne3A_134, %ne3A_129 : i1
      %add3A_136 = arith.addi %rem3A_127, %select_n3A_126 : i32
      %select_n3A_137 = arith.select %and3A_135, %add3A_136, %rem3A_127 : i32
      %eq3A_138 = arith.constant 1 : i32
      %eq3A_139 = arith.cmpi eq, %select_n3A_137, %eq3A_138 : i32
      %convert_element_type3A_140 = arith.extui %eq3A_139 : i1 to i32
      %cond3A_141 = arith.constant 0 : i32
      %cond3A_142 = arith.cmpi ne, %convert_element_type3A_140, %cond3A_141 : i32
      scf.if %cond3A_142 {
        %add3A_143 = arith.constant 1 : i32
        %add3A_144 = arith.addi %while3A_106, %add3A_143 : i32
        %lt3A_145 = arith.cmpi slt, %add3A_144, %select_n3A : i32
        %convert_element_type3A_146 = arith.extui %lt3A_145 : i1 to i32
        %cond3A_147 = arith.constant 0 : i32
        %cond3A_148 = arith.cmpi ne, %convert_element_type3A_146, %cond3A_147 : i32
        scf.if %cond3A_148 {
          %add3A_155 = arith.constant 1 : i32
          %add3A_156 = arith.addi %while3A_106, %add3A_155 : i32
          %mul3A_157 = arith.constant 16 : i32
          %mul3A_158 = arith.muli %add3A_156, %mul3A_157 : i32
          %add3A_159 = arith.addi %select_n3A_8, %mul3A_158 : i32
          %mul3A_160 = arith.constant 64 : i32
          %mul3A_161 = arith.muli %add3A_159, %mul3A_160 : i32
          %multiple_of3A_162 = tpu.assume_multiple %mul3A_161, 1024 : i32
          %dma_start3A_163 = tpu.memref_slice %arg3[%multiple_of3A_162] : memref<327680xi32, #tpu.memory_space<hbm>> -> memref<1024xi32, #tpu.memory_space<hbm>>
          %dma_start3A_164 = tpu.memref_slice %arg3[%multiple_of3A_162] : memref<327680xi32, #tpu.memory_space<hbm>> -> memref<1024xi32, #tpu.memory_space<hbm>>
          tpu.enqueue_dma source(%dma_start3A_164 : memref<1024xi32, #tpu.memory_space<hbm>>) target(%arg6 : memref<1024xi32, #tpu.memory_space<vmem>>) target_semaphore(%arg15 : memref<!tpu.dma_semaphore, #tpu.memory_space<semaphore_mem>>)
          %add3A_165 = arith.constant 1 : i32
          %add3A_166 = arith.addi %while3A_106, %add3A_165 : i32
          %mul3A_167 = arith.constant 16 : i32
          %mul3A_168 = arith.muli %add3A_166, %mul3A_167 : i32
          %add3A_169 = arith.addi %select_n3A_8, %mul3A_168 : i32
          %multiple_of3A_170 = tpu.assume_multiple %add3A_169, 16 : i32
          %dma_start3A_171 = arith.constant 0 : i32
          %dma_start3A_172 = tpu.memref_slice %arg4[%multiple_of3A_170, %dma_start3A_171] : memref<5120x64xi32, #tpu.memory_space<hbm>> -> memref<16x64xi32, #tpu.memory_space<hbm>>
          %dma_start3A_173 = arith.constant 0 : i32
          %dma_start3A_174 = tpu.memref_slice %arg4[%multiple_of3A_170, %dma_start3A_173] : memref<5120x64xi32, #tpu.memory_space<hbm>> -> memref<16x64xi32, #tpu.memory_space<hbm>>
          tpu.enqueue_dma source(%dma_start3A_174 : memref<16x64xi32, #tpu.memory_space<hbm>>) target(%arg8 : memref<16x64xi32, #tpu.memory_space<vmem>>) target_semaphore(%arg15 : memref<!tpu.dma_semaphore, #tpu.memory_space<semaphore_mem>>)
        } else {
        }
        %scan3A_149 = arith.constant 0 : i32
        %scan3A_150 = arith.constant 0 : i32
        %scan3A_151 = arith.constant 8 : i32
        %scan3A_152 = arith.addi %scan3A_150, %scan3A_151 : i32
        %scan3A_153 = arith.constant 1 : i32
        scf.for %scan3A_155 = %scan3A_150 to %scan3A_152 step %scan3A_153  : i32 {
          %mul3A_156 = arith.constant 2 : i32
          %mul3A_157 = arith.muli %scan3A_155, %mul3A_156 : i32
          %mul3A_158 = arith.constant 64 : i32
          %mul3A_159 = arith.muli %mul3A_157, %mul3A_158 : i32
          %multiple_of3A_160 = tpu.assume_multiple %mul3A_159, 64 : i32
          %dma_wait3A_161 = tpu.memref_slice %arg7[%multiple_of3A_160] : memref<1024xi32, #tpu.memory_space<vmem>> -> memref<64xi32, #tpu.memory_space<vmem>>
          %dma_wait3A_162 = arith.constant 0 : i32
          %dma_wait3A_163 = arith.constant 0 : i32
          %dma_wait3A_164 = tpu.memref_slice %arg2[%dma_wait3A_162, %dma_wait3A_163] : memref<10240x128xf32, #tpu.memory_space<hbm>> -> memref<10240x128xf32, #tpu.memory_space<hbm>>
          tpu.wait_indirect_dma semaphore(%arg13 : memref<!tpu.dma_semaphore, #tpu.memory_space<semaphore_mem>>) src(%dma_wait3A_164 : memref<10240x128xf32, #tpu.memory_space<hbm>>) dst(%arg10 : memref<64x128xf32, #tpu.memory_space<vmem>>)
          %dma_start3A_165 = arith.constant 0 : i32
          %dma_start3A_166 = tpu.memref_slice %arg9[%mul3A_157, %dma_start3A_165] : memref<16x64xi32, #tpu.memory_space<vmem>> -> memref<1x64xi32, #tpu.memory_space<vmem>>
          %dma_start3A_167 = tpu.memref_squeeze %dma_start3A_166 : memref<1x64xi32, #tpu.memory_space<vmem>> -> memref<64xi32, #tpu.memory_space<vmem>>
          %dma_start3A_168 = arith.constant 0 : i32
          %dma_start3A_169 = arith.constant 0 : i32
          %dma_start3A_170 = tpu.memref_slice %arg12[%dma_start3A_168, %dma_start3A_169] : memref<10240x128xf32, #tpu.memory_space<vmem_shared>> -> memref<10240x128xf32, #tpu.memory_space<vmem_shared>>
          tpu.enqueue_indirect_dma source(%arg10 : memref<64x128xf32, #tpu.memory_space<vmem>>) target(%dma_start3A_170 : memref<10240x128xf32, #tpu.memory_space<vmem_shared>>) offsets(%dma_start3A_167 : memref<64xi32, #tpu.memory_space<vmem>>) semaphore(%arg17 : memref<!tpu.dma_semaphore, #tpu.memory_space<semaphore_mem>>) {add = true}
          %add3A_171 = arith.constant 1 : i32
          %add3A_172 = arith.addi %mul3A_157, %add3A_171 : i32
          %mul3A_173 = arith.constant 64 : i32
          %mul3A_174 = arith.muli %add3A_172, %mul3A_173 : i32
          %multiple_of3A_175 = tpu.assume_multiple %mul3A_174, 64 : i32
          %dma_wait3A_176 = tpu.memref_slice %arg7[%multiple_of3A_175] : memref<1024xi32, #tpu.memory_space<vmem>> -> memref<64xi32, #tpu.memory_space<vmem>>
          %dma_wait3A_177 = arith.constant 0 : i32
          %dma_wait3A_178 = arith.constant 0 : i32
          %dma_wait3A_179 = tpu.memref_slice %arg2[%dma_wait3A_177, %dma_wait3A_178] : memref<10240x128xf32, #tpu.memory_space<hbm>> -> memref<10240x128xf32, #tpu.memory_space<hbm>>
          tpu.wait_indirect_dma semaphore(%arg14 : memref<!tpu.dma_semaphore, #tpu.memory_space<semaphore_mem>>) src(%dma_wait3A_179 : memref<10240x128xf32, #tpu.memory_space<hbm>>) dst(%arg11 : memref<64x128xf32, #tpu.memory_space<vmem>>)
          %add3A_180 = arith.constant 1 : i32
          %add3A_181 = arith.addi %mul3A_157, %add3A_180 : i32
          %dma_start3A_182 = arith.constant 0 : i32
          %dma_start3A_183 = tpu.memref_slice %arg9[%add3A_181, %dma_start3A_182] : memref<16x64xi32, #tpu.memory_space<vmem>> -> memref<1x64xi32, #tpu.memory_space<vmem>>
          %dma_start3A_184 = tpu.memref_squeeze %dma_start3A_183 : memref<1x64xi32, #tpu.memory_space<vmem>> -> memref<64xi32, #tpu.memory_space<vmem>>
          %dma_start3A_185 = arith.constant 0 : i32
          %dma_start3A_186 = arith.constant 0 : i32
          %dma_start3A_187 = tpu.memref_slice %arg12[%dma_start3A_185, %dma_start3A_186] : memref<10240x128xf32, #tpu.memory_space<vmem_shared>> -> memref<10240x128xf32, #tpu.memory_space<vmem_shared>>
          tpu.enqueue_indirect_dma source(%arg11 : memref<64x128xf32, #tpu.memory_space<vmem>>) target(%dma_start3A_187 : memref<10240x128xf32, #tpu.memory_space<vmem_shared>>) offsets(%dma_start3A_184 : memref<64xi32, #tpu.memory_space<vmem>>) semaphore(%arg18 : memref<!tpu.dma_semaphore, #tpu.memory_space<semaphore_mem>>) {add = true}
          %dma_wait3A_188 = arith.constant 0 : i32
          %dma_wait3A_189 = tpu.memref_slice %arg9[%mul3A_157, %dma_wait3A_188] : memref<16x64xi32, #tpu.memory_space<vmem>> -> memref<1x64xi32, #tpu.memory_space<vmem>>
          %dma_wait3A_190 = tpu.memref_squeeze %dma_wait3A_189 : memref<1x64xi32, #tpu.memory_space<vmem>> -> memref<64xi32, #tpu.memory_space<vmem>>
          %dma_wait3A_191 = arith.constant 0 : i32
          %dma_wait3A_192 = arith.constant 0 : i32
          %dma_wait3A_193 = tpu.memref_slice %arg12[%dma_wait3A_191, %dma_wait3A_192] : memref<10240x128xf32, #tpu.memory_space<vmem_shared>> -> memref<10240x128xf32, #tpu.memory_space<vmem_shared>>
          tpu.wait_indirect_dma semaphore(%arg17 : memref<!tpu.dma_semaphore, #tpu.memory_space<semaphore_mem>>) src(%arg10 : memref<64x128xf32, #tpu.memory_space<vmem>>) dst(%dma_wait3A_193 : memref<10240x128xf32, #tpu.memory_space<vmem_shared>>)
          %lt3A_194 = arith.constant 7 : i32
          %lt3A_195 = arith.cmpi slt, %scan3A_155, %lt3A_194 : i32
          %convert_element_type3A_196 = arith.extui %lt3A_195 : i1 to i32
          %cond3A_197 = arith.constant 0 : i32
          %cond3A_198 = arith.cmpi ne, %convert_element_type3A_196, %cond3A_197 : i32
          scf.if %cond3A_198 {
            %add3A_230 = arith.constant 2 : i32
            %add3A_231 = arith.addi %mul3A_157, %add3A_230 : i32
            %mul3A_232 = arith.constant 64 : i32
            %mul3A_233 = arith.muli %add3A_231, %mul3A_232 : i32
            %multiple_of3A_234 = tpu.assume_multiple %mul3A_233, 64 : i32
            %dma_start3A_235 = tpu.memref_slice %arg7[%multiple_of3A_234] : memref<1024xi32, #tpu.memory_space<vmem>> -> memref<64xi32, #tpu.memory_space<vmem>>
            %dma_start3A_236 = arith.constant 0 : i32
            %dma_start3A_237 = arith.constant 0 : i32
            %dma_start3A_238 = tpu.memref_slice %arg2[%dma_start3A_236, %dma_start3A_237] : memref<10240x128xf32, #tpu.memory_space<hbm>> -> memref<10240x128xf32, #tpu.memory_space<hbm>>
            tpu.enqueue_indirect_dma source(%dma_start3A_238 : memref<10240x128xf32, #tpu.memory_space<hbm>>) target(%arg10 : memref<64x128xf32, #tpu.memory_space<vmem>>) offsets(%dma_start3A_235 : memref<64xi32, #tpu.memory_space<vmem>>) semaphore(%arg13 : memref<!tpu.dma_semaphore, #tpu.memory_space<semaphore_mem>>)
          } else {
          }
          %eq3A_199 = arith.constant 7 : i32
          %eq3A_200 = arith.cmpi eq, %scan3A_155, %eq3A_199 : i32
          %add3A_201 = arith.constant 1 : i32
          %add3A_202 = arith.addi %while3A_106, %add3A_201 : i32
          %lt3A_203 = arith.cmpi slt, %add3A_202, %select_n3A : i32
          %and3A_204 = arith.andi %eq3A_200, %lt3A_203 : i1
          %convert_element_type3A_205 = arith.extui %and3A_204 : i1 to i32
          %cond3A_206 = arith.constant 0 : i32
          %cond3A_207 = arith.cmpi ne, %convert_element_type3A_205, %cond3A_206 : i32
          scf.if %cond3A_207 {
            %add3A_230 = arith.constant 1 : i32
            %add3A_231 = arith.addi %while3A_106, %add3A_230 : i32
            %mul3A_232 = arith.constant 16 : i32
            %mul3A_233 = arith.muli %add3A_231, %mul3A_232 : i32
            %add3A_234 = arith.addi %select_n3A_8, %mul3A_233 : i32
            %mul3A_235 = arith.constant 64 : i32
            %mul3A_236 = arith.muli %add3A_234, %mul3A_235 : i32
            %multiple_of3A_237 = tpu.assume_multiple %mul3A_236, 1024 : i32
            %dma_wait3A_238 = tpu.memref_slice %arg3[%multiple_of3A_237] : memref<327680xi32, #tpu.memory_space<hbm>> -> memref<1024xi32, #tpu.memory_space<hbm>>
            %dma_wait3A_239 = tpu.memref_slice %arg3[%multiple_of3A_237] : memref<327680xi32, #tpu.memory_space<hbm>> -> memref<1024xi32, #tpu.memory_space<hbm>>
            tpu.wait_dma2 semaphore(%arg15 : memref<!tpu.dma_semaphore, #tpu.memory_space<semaphore_mem>>) src(%dma_wait3A_239 : memref<1024xi32, #tpu.memory_space<hbm>>) dst(%arg6 : memref<1024xi32, #tpu.memory_space<vmem>>)
            %add3A_240 = arith.constant 1 : i32
            %add3A_241 = arith.addi %while3A_106, %add3A_240 : i32
            %mul3A_242 = arith.constant 16 : i32
            %mul3A_243 = arith.muli %add3A_241, %mul3A_242 : i32
            %add3A_244 = arith.addi %select_n3A_8, %mul3A_243 : i32
            %multiple_of3A_245 = tpu.assume_multiple %add3A_244, 16 : i32
            %dma_wait3A_246 = arith.constant 0 : i32
            %dma_wait3A_247 = tpu.memref_slice %arg4[%multiple_of3A_245, %dma_wait3A_246] : memref<5120x64xi32, #tpu.memory_space<hbm>> -> memref<16x64xi32, #tpu.memory_space<hbm>>
            %dma_wait3A_248 = arith.constant 0 : i32
            %dma_wait3A_249 = tpu.memref_slice %arg4[%multiple_of3A_245, %dma_wait3A_248] : memref<5120x64xi32, #tpu.memory_space<hbm>> -> memref<16x64xi32, #tpu.memory_space<hbm>>
            tpu.wait_dma2 semaphore(%arg15 : memref<!tpu.dma_semaphore, #tpu.memory_space<semaphore_mem>>) src(%dma_wait3A_249 : memref<16x64xi32, #tpu.memory_space<hbm>>) dst(%arg8 : memref<16x64xi32, #tpu.memory_space<vmem>>)
            %multiple_of3A_250 = arith.constant 0 : i32
            %multiple_of3A_251 = tpu.assume_multiple %multiple_of3A_250, 64 : i32
            %dma_start3A_252 = tpu.memref_slice %arg6[%multiple_of3A_251] : memref<1024xi32, #tpu.memory_space<vmem>> -> memref<64xi32, #tpu.memory_space<vmem>>
            %dma_start3A_253 = arith.constant 0 : i32
            %dma_start3A_254 = arith.constant 0 : i32
            %dma_start3A_255 = tpu.memref_slice %arg2[%dma_start3A_253, %dma_start3A_254] : memref<10240x128xf32, #tpu.memory_space<hbm>> -> memref<10240x128xf32, #tpu.memory_space<hbm>>
            tpu.enqueue_indirect_dma source(%dma_start3A_255 : memref<10240x128xf32, #tpu.memory_space<hbm>>) target(%arg10 : memref<64x128xf32, #tpu.memory_space<vmem>>) offsets(%dma_start3A_252 : memref<64xi32, #tpu.memory_space<vmem>>) semaphore(%arg13 : memref<!tpu.dma_semaphore, #tpu.memory_space<semaphore_mem>>)
          } else {
          }
          %add3A_208 = arith.constant 1 : i32
          %add3A_209 = arith.addi %mul3A_157, %add3A_208 : i32
          %dma_wait3A_210 = arith.constant 0 : i32
          %dma_wait3A_211 = tpu.memref_slice %arg9[%add3A_209, %dma_wait3A_210] : memref<16x64xi32, #tpu.memory_space<vmem>> -> memref<1x64xi32, #tpu.memory_space<vmem>>
          %dma_wait3A_212 = tpu.memref_squeeze %dma_wait3A_211 : memref<1x64xi32, #tpu.memory_space<vmem>> -> memref<64xi32, #tpu.memory_space<vmem>>
          %dma_wait3A_213 = arith.constant 0 : i32
          %dma_wait3A_214 = arith.constant 0 : i32
          %dma_wait3A_215 = tpu.memref_slice %arg12[%dma_wait3A_213, %dma_wait3A_214] : memref<10240x128xf32, #tpu.memory_space<vmem_shared>> -> memref<10240x128xf32, #tpu.memory_space<vmem_shared>>
          tpu.wait_indirect_dma semaphore(%arg18 : memref<!tpu.dma_semaphore, #tpu.memory_space<semaphore_mem>>) src(%arg11 : memref<64x128xf32, #tpu.memory_space<vmem>>) dst(%dma_wait3A_215 : memref<10240x128xf32, #tpu.memory_space<vmem_shared>>)
          %lt3A_216 = arith.constant 7 : i32
          %lt3A_217 = arith.cmpi slt, %scan3A_155, %lt3A_216 : i32
          %convert_element_type3A_218 = arith.extui %lt3A_217 : i1 to i32
          %cond3A_219 = arith.constant 0 : i32
          %cond3A_220 = arith.cmpi ne, %convert_element_type3A_218, %cond3A_219 : i32
          scf.if %cond3A_220 {
            %add3A_230 = arith.constant 3 : i32
            %add3A_231 = arith.addi %mul3A_157, %add3A_230 : i32
            %mul3A_232 = arith.constant 64 : i32
            %mul3A_233 = arith.muli %add3A_231, %mul3A_232 : i32
            %multiple_of3A_234 = tpu.assume_multiple %mul3A_233, 64 : i32
            %dma_start3A_235 = tpu.memref_slice %arg7[%multiple_of3A_234] : memref<1024xi32, #tpu.memory_space<vmem>> -> memref<64xi32, #tpu.memory_space<vmem>>
            %dma_start3A_236 = arith.constant 0 : i32
            %dma_start3A_237 = arith.constant 0 : i32
            %dma_start3A_238 = tpu.memref_slice %arg2[%dma_start3A_236, %dma_start3A_237] : memref<10240x128xf32, #tpu.memory_space<hbm>> -> memref<10240x128xf32, #tpu.memory_space<hbm>>
            tpu.enqueue_indirect_dma source(%dma_start3A_238 : memref<10240x128xf32, #tpu.memory_space<hbm>>) target(%arg11 : memref<64x128xf32, #tpu.memory_space<vmem>>) offsets(%dma_start3A_235 : memref<64xi32, #tpu.memory_space<vmem>>) semaphore(%arg14 : memref<!tpu.dma_semaphore, #tpu.memory_space<semaphore_mem>>)
          } else {
          }
          %eq3A_221 = arith.constant 7 : i32
          %eq3A_222 = arith.cmpi eq, %scan3A_155, %eq3A_221 : i32
          %add3A_223 = arith.constant 1 : i32
          %add3A_224 = arith.addi %while3A_106, %add3A_223 : i32
          %lt3A_225 = arith.cmpi slt, %add3A_224, %select_n3A : i32
          %and3A_226 = arith.andi %eq3A_222, %lt3A_225 : i1
          %convert_element_type3A_227 = arith.extui %and3A_226 : i1 to i32
          %cond3A_228 = arith.constant 0 : i32
          %cond3A_229 = arith.cmpi ne, %convert_element_type3A_227, %cond3A_228 : i32
          scf.if %cond3A_229 {
            %multiple_of3A_230 = arith.constant 64 : i32
            %multiple_of3A_231 = tpu.assume_multiple %multiple_of3A_230, 64 : i32
            %dma_start3A_232 = tpu.memref_slice %arg6[%multiple_of3A_231] : memref<1024xi32, #tpu.memory_space<vmem>> -> memref<64xi32, #tpu.memory_space<vmem>>
            %dma_start3A_233 = arith.constant 0 : i32
            %dma_start3A_234 = arith.constant 0 : i32
            %dma_start3A_235 = tpu.memref_slice %arg2[%dma_start3A_233, %dma_start3A_234] : memref<10240x128xf32, #tpu.memory_space<hbm>> -> memref<10240x128xf32, #tpu.memory_space<hbm>>
            tpu.enqueue_indirect_dma source(%dma_start3A_235 : memref<10240x128xf32, #tpu.memory_space<hbm>>) target(%arg11 : memref<64x128xf32, #tpu.memory_space<vmem>>) offsets(%dma_start3A_232 : memref<64xi32, #tpu.memory_space<vmem>>) semaphore(%arg14 : memref<!tpu.dma_semaphore, #tpu.memory_space<semaphore_mem>>)
          } else {
          }
        }
        %scan3A_154 = arith.constant 8 : i32
      } else {
      }
    }
    %barrier3A_101 = arith.constant 0 : index
    tpu.barrier barrier_id(%barrier3A_101)
    %mul3A_102 = arith.constant 640 : i32
    %mul3A_103 = arith.muli %arg1, %mul3A_102 : i32
    %mul3A_104 = arith.constant 640 : i32
    %mul3A_105 = arith.muli %arg1, %mul3A_104 : i32
    "tpu.region"() ({
      %run_scoped3A = tpu.sem_alloc : memref<!tpu.dma_semaphore, #tpu.memory_space<semaphore_mem>>
      %dma_start3A_106 = arith.constant 0 : i32
      %dma_start3A_107 = tpu.memref_slice %arg5[%arg0, %mul3A_105, %dma_start3A_106] : memref<2x10240x128xf32, #tpu.memory_space<hbm>> -> memref<1x640x128xf32, #tpu.memory_space<hbm>>
      %dma_start3A_108 = tpu.memref_squeeze %dma_start3A_107 : memref<1x640x128xf32, #tpu.memory_space<hbm>> -> memref<640x128xf32, #tpu.memory_space<hbm>>
      %dma_start3A_109 = arith.constant 0 : i32
      %dma_start3A_110 = tpu.memref_slice %arg12[%mul3A_103, %dma_start3A_109] : memref<10240x128xf32, #tpu.memory_space<vmem_shared>> -> memref<640x128xf32, #tpu.memory_space<vmem_shared>>
      tpu.enqueue_dma source(%dma_start3A_110 : memref<640x128xf32, #tpu.memory_space<vmem_shared>>) target(%dma_start3A_108 : memref<640x128xf32, #tpu.memory_space<hbm>>) target_semaphore(%run_scoped3A : memref<!tpu.dma_semaphore, #tpu.memory_space<semaphore_mem>>)
      %dma_wait3A_111 = arith.constant 0 : i32
      %dma_wait3A_112 = tpu.memref_slice %arg5[%arg0, %mul3A_105, %dma_wait3A_111] : memref<2x10240x128xf32, #tpu.memory_space<hbm>> -> memref<1x640x128xf32, #tpu.memory_space<hbm>>
      %dma_wait3A_113 = tpu.memref_squeeze %dma_wait3A_112 : memref<1x640x128xf32, #tpu.memory_space<hbm>> -> memref<640x128xf32, #tpu.memory_space<hbm>>
      %dma_wait3A_114 = arith.constant 0 : i32
      %dma_wait3A_115 = tpu.memref_slice %arg12[%mul3A_103, %dma_wait3A_114] : memref<10240x128xf32, #tpu.memory_space<vmem_shared>> -> memref<640x128xf32, #tpu.memory_space<vmem_shared>>
      tpu.wait_dma2 semaphore(%run_scoped3A : memref<!tpu.dma_semaphore, #tpu.memory_space<semaphore_mem>>) src(%dma_wait3A_115 : memref<640x128xf32, #tpu.memory_space<vmem_shared>>) dst(%dma_wait3A_113 : memref<640x128xf32, #tpu.memory_space<hbm>>)
      tpu.yield
    }) : () -> ()
    return
  }
}

module attributes {stable_mosaic.version = 14 : i64} {
  func.func @_matmul_body(%arg0: i32, %arg1: memref<512x128xf32, #tpu.memory_space<vmem>>, %arg2: memref<128x128xf32, #tpu.memory_space<vmem>>, %arg3: memref<512x128xf32, #tpu.memory_space<vmem>>) attributes {dimension_semantics = [#tpu.dimension_semantics<arbitrary>], iteration_bounds = array<i64: 20>, scalar_prefetch = 0 : i64, scratch_operands = 0 : i64, tpu.core_type = #tpu.core_type<tc>, window_params = [{transform_indices = @transform_0, window_bounds = array<i64: 512, 128>}, {pipeline_mode = #tpu.pipeline_mode<synchronous>, transform_indices = @transform_1, window_bounds = array<i64: 128, 128>}, {transform_indices = @transform_2, window_bounds = array<i64: 512, 128>}]} {
    %get3A = arith.constant 0 : index
    %get3A_0 = arith.constant 0 : index
    %get3A_1 = vector.load %arg1[%get3A, %get3A_0] : memref<512x128xf32, #tpu.memory_space<vmem>>, vector<512x128xf32>
    %get3A_2 = arith.constant 0 : index
    %get3A_3 = arith.constant 0 : index
    %get3A_4 = vector.load %arg2[%get3A_2, %get3A_3] : memref<128x128xf32, #tpu.memory_space<vmem>>, vector<128x128xf32>
    %dot_general3A = arith.constant dense<0.000000e+00> : vector<512x128xf32>
    %dot_general3A_5 = tpu.matmul %get3A_1, %get3A_4, %dot_general3A {dimension_numbers = #tpu.dot_dimension_numbers<[1], [0], [0], [1], [0, 0, 1, 1], [], []>, precision = #tpu.contract_precision<fp32>, transpose_lhs_hint = false} : vector<512x128xf32>, vector<128x128xf32>, vector<512x128xf32> -> vector<512x128xf32>
    %swap3A = arith.constant 0 : index
    %swap3A_6 = arith.constant 0 : index
    %swap3A_7 = vector.load %arg3[%swap3A, %swap3A_6] : memref<512x128xf32, #tpu.memory_space<vmem>>, vector<512x128xf32>
    tpu.vector_store %arg3[%swap3A, %swap3A_6], %dot_general3A_5 {strides = array<i32>} : memref<512x128xf32, #tpu.memory_space<vmem>>, vector<512x128xf32>,
    return
  }
  func.func @transform_0(%arg0: i32) -> (i32, i32) {
    %c0_i32 = arith.constant 0 : i32
    %c0_i32_0 = arith.constant 0 : i32
    return %arg0, %c0_i32 : i32, i32
  }
  func.func @transform_1(%arg0: i32) -> (i32, i32) {
    %c0_i32 = arith.constant 0 : i32
    %c0_i32_0 = arith.constant 0 : i32
    %c0_i32_1 = arith.constant 0 : i32
    return %c0_i32, %c0_i32_0 : i32, i32
  }
  func.func @transform_2(%arg0: i32) -> (i32, i32) {
    %c0_i32 = arith.constant 0 : i32
    %c0_i32_0 = arith.constant 0 : i32
    return %arg0, %c0_i32 : i32, i32
  }
}

module attributes {stable_mosaic.version = 14 : i64} {
  func.func @_scale_body(%arg0: i32, %arg1: memref<512x128xf32, #tpu.memory_space<vmem>>, %arg2: memref<32x512xf32, #tpu.memory_space<vmem>>, %arg3: memref<512x128xf32, #tpu.memory_space<vmem>>) attributes {dimension_semantics = [#tpu.dimension_semantics<arbitrary>], iteration_bounds = array<i64: 20>, scalar_prefetch = 0 : i64, scratch_operands = 0 : i64, tpu.core_type = #tpu.core_type<tc>, window_params = [{transform_indices = @transform_0, window_bounds = array<i64: 512, 128>}, {transform_indices = @transform_1, window_bounds = array<i64: 32, 512>}, {transform_indices = @transform_2, window_bounds = array<i64: 512, 128>}]} {
    %get3A = arith.constant 0 : index
    %get3A_0 = arith.constant 0 : index
    %get3A_1 = vector.load %arg2[%get3A, %get3A_0] : memref<32x512xf32, #tpu.memory_space<vmem>>, vector<32x512xf32>
    %reduce_sum3A = arith.constant dense<0.000000e+00> : vector<512xf32>
    %reduce_sum3A_2 = vector.multi_reduction <add>, %get3A_1, %reduce_sum3A [0] : vector<32x512xf32> to vector<512xf32>
    %add3A = arith.constant 1.000000e+00 : f32
    %add3A_3 = vector.broadcast %add3A : f32 to vector<512xf32>
    %add3A_4 = arith.addf %reduce_sum3A_2, %add3A_3 : vector<512xf32>
    %rsqrt3A = math.rsqrt %add3A_4 : vector<512xf32>
    %get3A_5 = arith.constant 0 : index
    %get3A_6 = arith.constant 0 : index
    %get3A_7 = vector.load %arg1[%get3A_5, %get3A_6] : memref<512x128xf32, #tpu.memory_space<vmem>>, vector<512x128xf32>
    %broadcast_in_dim3A = vector.shape_cast %rsqrt3A : vector<512xf32> to vector<512x1xf32>
    %mul3A = vector.broadcast %broadcast_in_dim3A : vector<512x1xf32> to vector<512x128xf32>
    %mul3A_8 = arith.mulf %get3A_7, %mul3A : vector<512x128xf32>
    %swap3A = arith.constant 0 : index
    %swap3A_9 = arith.constant 0 : index
    %swap3A_10 = vector.load %arg3[%swap3A, %swap3A_9] : memref<512x128xf32, #tpu.memory_space<vmem>>, vector<512x128xf32>
    tpu.vector_store %arg3[%swap3A, %swap3A_9], %mul3A_8 {strides = array<i32>} : memref<512x128xf32, #tpu.memory_space<vmem>>, vector<512x128xf32>,
    return
  }
  func.func @transform_0(%arg0: i32) -> (i32, i32) {
    %c0_i32 = arith.constant 0 : i32
    %c0_i32_0 = arith.constant 0 : i32
    return %arg0, %c0_i32 : i32, i32
  }
  func.func @transform_1(%arg0: i32) -> (i32, i32) {
    %c0_i32 = arith.constant 0 : i32
    %c0_i32_0 = arith.constant 0 : i32
    return %c0_i32, %arg0 : i32, i32
  }
  func.func @transform_2(%arg0: i32) -> (i32, i32) {
    %c0_i32 = arith.constant 0 : i32
    %c0_i32_0 = arith.constant 0 : i32
    return %arg0, %c0_i32 : i32, i32
  }
}

module attributes {stable_mosaic.version = 14 : i64} {
  func.func @_agg_body(%arg0: i32, %arg1: memref<512x128xf32, #tpu.memory_space<vmem>>, %arg2: memref<512x128xf32, #tpu.memory_space<vmem>>, %arg3: memref<512x128xf32, #tpu.memory_space<vmem>>, %arg4: memref<32x512xf32, #tpu.memory_space<vmem>>, %arg5: memref<1x128xf32, #tpu.memory_space<vmem>>, %arg6: memref<512x128xf32, #tpu.memory_space<vmem>>, %arg7: memref<2x128xf32, #tpu.memory_space<vmem>>) attributes {dimension_semantics = [#tpu.dimension_semantics<arbitrary>], iteration_bounds = array<i64: 20>, scalar_prefetch = 0 : i64, scratch_operands = 0 : i64, tpu.core_type = #tpu.core_type<tc>, window_params = [{transform_indices = @transform_0, window_bounds = array<i64: 512, 128>}, {transform_indices = @transform_1, window_bounds = array<i64: 512, 128>}, {transform_indices = @transform_2, window_bounds = array<i64: 512, 128>}, {transform_indices = @transform_3, window_bounds = array<i64: 32, 512>}, {pipeline_mode = #tpu.pipeline_mode<synchronous>, transform_indices = @transform_4, window_bounds = array<i64: 1, 128>}, {transform_indices = @transform_5, window_bounds = array<i64: 512, 128>}, {pipeline_mode = #tpu.pipeline_mode<synchronous>, transform_indices = @transform_6, window_bounds = array<i64: 2, 128>}]} {
    %eq3A = arith.constant 0 : i32
    %eq3A_0 = arith.cmpi eq, %arg0, %eq3A : i32
    %convert_element_type3A = arith.extui %eq3A_0 : i1 to i32
    %cond3A = arith.constant 0 : i32
    %cond3A_1 = arith.cmpi ne, %convert_element_type3A, %cond3A : i32
    scf.if %cond3A_1 {
      %broadcast_in_dim3A_56 = arith.constant 0.000000e+00 : f32
      %broadcast_in_dim3A_57 = vector.broadcast %broadcast_in_dim3A_56 : f32 to vector<2x128xf32>
      %swap3A_58 = arith.constant 0 : index
      %swap3A_59 = arith.constant 0 : index
      %swap3A_60 = vector.load %arg7[%swap3A_58, %swap3A_59] : memref<2x128xf32, #tpu.memory_space<vmem>>, vector<2x128xf32>
      tpu.vector_store %arg7[%swap3A_58, %swap3A_59], %broadcast_in_dim3A_57 {strides = array<i32>} : memref<2x128xf32, #tpu.memory_space<vmem>>, vector<2x128xf32>,
    } else {
    }
    %get3A = arith.constant 0 : index
    %get3A_2 = arith.constant 0 : index
    %get3A_3 = vector.load %arg4[%get3A, %get3A_2] : memref<32x512xf32, #tpu.memory_space<vmem>>, vector<32x512xf32>
    %reduce_sum3A = arith.constant dense<0.000000e+00> : vector<512xf32>
    %reduce_sum3A_4 = vector.multi_reduction <add>, %get3A_3, %reduce_sum3A [0] : vector<32x512xf32> to vector<512xf32>
    %add3A = arith.constant 1.000000e+00 : f32
    %add3A_5 = vector.broadcast %add3A : f32 to vector<512xf32>
    %add3A_6 = arith.addf %reduce_sum3A_4, %add3A_5 : vector<512xf32>
    %rsqrt3A = math.rsqrt %add3A_6 : vector<512xf32>
    %get3A_7 = arith.constant 0 : index
    %get3A_8 = arith.constant 0 : index
    %get3A_9 = vector.load %arg1[%get3A_7, %get3A_8] : memref<512x128xf32, #tpu.memory_space<vmem>>, vector<512x128xf32>
    %get3A_10 = arith.constant 0 : index
    %get3A_11 = arith.constant 0 : index
    %get3A_12 = vector.load %arg2[%get3A_10, %get3A_11] : memref<512x128xf32, #tpu.memory_space<vmem>>, vector<512x128xf32>
    %add3A_13 = arith.addf %get3A_9, %get3A_12 : vector<512x128xf32>
    %get3A_14 = arith.constant 0 : index
    %get3A_15 = arith.constant 0 : index
    %get3A_16 = vector.load %arg3[%get3A_14, %get3A_15] : memref<512x128xf32, #tpu.memory_space<vmem>>, vector<512x128xf32>
    %add3A_17 = arith.addf %add3A_13, %get3A_16 : vector<512x128xf32>
    %broadcast_in_dim3A = vector.shape_cast %rsqrt3A : vector<512xf32> to vector<512x1xf32>
    %mul3A = vector.broadcast %broadcast_in_dim3A : vector<512x1xf32> to vector<512x128xf32>
    %mul3A_18 = arith.mulf %add3A_17, %mul3A : vector<512x128xf32>
    %get3A_19 = arith.constant 0 : index
    %get3A_20 = arith.constant 0 : index
    %get3A_21 = vector.load %arg5[%get3A_19, %get3A_20] : memref<1x128xf32, #tpu.memory_space<vmem>>, vector<1x128xf32>
    %add3A_22 = vector.broadcast %get3A_21 : vector<1x128xf32> to vector<512x128xf32>
    %add3A_23 = arith.addf %mul3A_18, %add3A_22 : vector<512x128xf32>
    %swap3A = arith.constant 0 : index
    %swap3A_24 = arith.constant 0 : index
    %swap3A_25 = vector.load %arg6[%swap3A, %swap3A_24] : memref<512x128xf32, #tpu.memory_space<vmem>>, vector<512x128xf32>
    tpu.vector_store %arg6[%swap3A, %swap3A_24], %add3A_23 {strides = array<i32>} : memref<512x128xf32, #tpu.memory_space<vmem>>, vector<512x128xf32>,
    %iota3A = tpu.iota {dimensions = array<i32: 0>} : vector<512x1xi32>
    %mul3A_26 = arith.constant 512 : i32
    %mul3A_27 = arith.muli %arg0, %mul3A_26 : i32
    %add3A_28 = vector.broadcast %mul3A_27 : i32 to vector<512x1xi32>
    %add3A_29 = arith.addi %iota3A, %add3A_28 : vector<512x1xi32>
    %lt3A = arith.constant 10000 : i32
    %lt3A_30 = vector.broadcast %lt3A : i32 to vector<512x1xi32>
    %lt3A_31 = arith.cmpi slt, %add3A_29, %lt3A_30 : vector<512x1xi32>
    %jit3A = arith.constant 0.000000e+00 : f32
    %broadcast_in_dim3A_32 = vector.shape_cast %lt3A_31 : vector<512x1xi1> to vector<512x1xi1>
    %broadcast_in_dim3A_33 = vector.broadcast %broadcast_in_dim3A_32 : vector<512x1xi1> to vector<512x128xi1>
    %broadcast_in_dim3A_34 = vector.broadcast %jit3A : f32 to vector<512x128xf32>
    %select_n3A = arith.select %broadcast_in_dim3A_33, %add3A_23, %broadcast_in_dim3A_34 : vector<512x128xi1>, vector<512x128xf32>
    %get3A_35 = arith.constant 0 : index
    %get3A_36 = arith.constant 0 : index
    %get3A_37 = vector.load %arg7[%get3A_35, %get3A_36] : memref<2x128xf32, #tpu.memory_space<vmem>>, vector<1x128xf32>
    %reduce_sum3A_38 = arith.constant dense<0.000000e+00> : vector<128xf32>
    %reduce_sum3A_39 = vector.multi_reduction <add>, %select_n3A, %reduce_sum3A_38 [0] : vector<512x128xf32> to vector<128xf32>
    %broadcast_in_dim3A_40 = vector.shape_cast %reduce_sum3A_39 : vector<128xf32> to vector<1x128xf32>
    %add3A_41 = arith.addf %get3A_37, %broadcast_in_dim3A_40 : vector<1x128xf32>
    %swap3A_42 = arith.constant 0 : index
    %swap3A_43 = arith.constant 0 : index
    %swap3A_44 = vector.load %arg7[%swap3A_42, %swap3A_43] : memref<2x128xf32, #tpu.memory_space<vmem>>, vector<1x128xf32>
    tpu.vector_store %arg7[%swap3A_42, %swap3A_43], %add3A_41 {strides = array<i32>} : memref<2x128xf32, #tpu.memory_space<vmem>>, vector<1x128xf32>,
    %get3A_45 = arith.constant 1 : index
    %get3A_46 = arith.constant 0 : index
    %get3A_47 = vector.load %arg7[%get3A_45, %get3A_46] : memref<2x128xf32, #tpu.memory_space<vmem>>, vector<1x128xf32>
    %mul3A_48 = arith.mulf %select_n3A, %select_n3A : vector<512x128xf32>
    %reduce_sum3A_49 = arith.constant dense<0.000000e+00> : vector<128xf32>
    %reduce_sum3A_50 = vector.multi_reduction <add>, %mul3A_48, %reduce_sum3A_49 [0] : vector<512x128xf32> to vector<128xf32>
    %broadcast_in_dim3A_51 = vector.shape_cast %reduce_sum3A_50 : vector<128xf32> to vector<1x128xf32>
    %add3A_52 = arith.addf %get3A_47, %broadcast_in_dim3A_51 : vector<1x128xf32>
    %swap3A_53 = arith.constant 1 : index
    %swap3A_54 = arith.constant 0 : index
    %swap3A_55 = vector.load %arg7[%swap3A_53, %swap3A_54] : memref<2x128xf32, #tpu.memory_space<vmem>>, vector<1x128xf32>
    tpu.vector_store %arg7[%swap3A_53, %swap3A_54], %add3A_52 {strides = array<i32>} : memref<2x128xf32, #tpu.memory_space<vmem>>, vector<1x128xf32>,
    return
  }
  func.func @transform_0(%arg0: i32) -> (i32, i32) {
    %c0_i32 = arith.constant 0 : i32
    %c0_i32_0 = arith.constant 0 : i32
    return %arg0, %c0_i32 : i32, i32
  }
  func.func @transform_1(%arg0: i32) -> (i32, i32) {
    %c0_i32 = arith.constant 0 : i32
    %c0_i32_0 = arith.constant 0 : i32
    return %arg0, %c0_i32 : i32, i32
  }
  func.func @transform_2(%arg0: i32) -> (i32, i32) {
    %c0_i32 = arith.constant 0 : i32
    %c0_i32_0 = arith.constant 0 : i32
    return %arg0, %c0_i32 : i32, i32
  }
  func.func @transform_3(%arg0: i32) -> (i32, i32) {
    %c0_i32 = arith.constant 0 : i32
    %c0_i32_0 = arith.constant 0 : i32
    return %c0_i32, %arg0 : i32, i32
  }
  func.func @transform_4(%arg0: i32) -> (i32, i32) {
    %c0_i32 = arith.constant 0 : i32
    %c0_i32_0 = arith.constant 0 : i32
    %c0_i32_1 = arith.constant 0 : i32
    return %c0_i32, %c0_i32_0 : i32, i32
  }
  func.func @transform_5(%arg0: i32) -> (i32, i32) {
    %c0_i32 = arith.constant 0 : i32
    %c0_i32_0 = arith.constant 0 : i32
    return %arg0, %c0_i32 : i32, i32
  }
  func.func @transform_6(%arg0: i32) -> (i32, i32) {
    %c0_i32 = arith.constant 0 : i32
    %c0_i32_0 = arith.constant 0 : i32
    %c0_i32_1 = arith.constant 0 : i32
    return %c0_i32, %c0_i32_0 : i32, i32
  }
}

module attributes {stable_mosaic.version = 14 : i64} {
  func.func @_bn_body(%arg0: i32, %arg1: memref<512x128xf32, #tpu.memory_space<vmem>>, %arg2: memref<512x128xf32, #tpu.memory_space<vmem>>, %arg3: memref<2x128xf32, #tpu.memory_space<vmem>>, %arg4: memref<1x128xf32, #tpu.memory_space<vmem>>, %arg5: memref<1x128xf32, #tpu.memory_space<vmem>>, %arg6: memref<512x128xf32, #tpu.memory_space<vmem>>) attributes {dimension_semantics = [#tpu.dimension_semantics<arbitrary>], iteration_bounds = array<i64: 20>, scalar_prefetch = 0 : i64, scratch_operands = 0 : i64, tpu.core_type = #tpu.core_type<tc>, window_params = [{transform_indices = @transform_0, window_bounds = array<i64: 512, 128>}, {transform_indices = @transform_1, window_bounds = array<i64: 512, 128>}, {pipeline_mode = #tpu.pipeline_mode<synchronous>, transform_indices = @transform_2, window_bounds = array<i64: 2, 128>}, {pipeline_mode = #tpu.pipeline_mode<synchronous>, transform_indices = @transform_3, window_bounds = array<i64: 1, 128>}, {pipeline_mode = #tpu.pipeline_mode<synchronous>, transform_indices = @transform_4, window_bounds = array<i64: 1, 128>}, {transform_indices = @transform_5, window_bounds = array<i64: 512, 128>}]} {
    %get3A = arith.constant 0 : index
    %get3A_0 = arith.constant 0 : index
    %get3A_1 = vector.load %arg3[%get3A, %get3A_0] : memref<2x128xf32, #tpu.memory_space<vmem>>, vector<1x128xf32>
    %mul3A = arith.constant 9.99999974E-5 : f32
    %mul3A_2 = vector.broadcast %mul3A : f32 to vector<1x128xf32>
    %mul3A_3 = arith.mulf %get3A_1, %mul3A_2 : vector<1x128xf32>
    %get3A_4 = arith.constant 1 : index
    %get3A_5 = arith.constant 0 : index
    %get3A_6 = vector.load %arg3[%get3A_4, %get3A_5] : memref<2x128xf32, #tpu.memory_space<vmem>>, vector<1x128xf32>
    %mul3A_7 = arith.constant 9.99999974E-5 : f32
    %mul3A_8 = vector.broadcast %mul3A_7 : f32 to vector<1x128xf32>
    %mul3A_9 = arith.mulf %get3A_6, %mul3A_8 : vector<1x128xf32>
    %mul3A_10 = arith.mulf %mul3A_3, %mul3A_3 : vector<1x128xf32>
    %sub3A = arith.subf %mul3A_9, %mul3A_10 : vector<1x128xf32>
    %add3A = arith.constant 9.99999974E-6 : f32
    %add3A_11 = vector.broadcast %add3A : f32 to vector<1x128xf32>
    %add3A_12 = arith.addf %sub3A, %add3A_11 : vector<1x128xf32>
    %rsqrt3A = math.rsqrt %add3A_12 : vector<1x128xf32>
    %get3A_13 = arith.constant 0 : index
    %get3A_14 = arith.constant 0 : index
    %get3A_15 = vector.load %arg4[%get3A_13, %get3A_14] : memref<1x128xf32, #tpu.memory_space<vmem>>, vector<1x128xf32>
    %get3A_16 = arith.constant 0 : index
    %get3A_17 = arith.constant 0 : index
    %get3A_18 = vector.load %arg1[%get3A_16, %get3A_17] : memref<512x128xf32, #tpu.memory_space<vmem>>, vector<512x128xf32>
    %sub3A_19 = vector.broadcast %mul3A_3 : vector<1x128xf32> to vector<512x128xf32>
    %sub3A_20 = arith.subf %get3A_18, %sub3A_19 : vector<512x128xf32>
    %mul3A_21 = vector.broadcast %get3A_15 : vector<1x128xf32> to vector<512x128xf32>
    %mul3A_22 = arith.mulf %mul3A_21, %sub3A_20 : vector<512x128xf32>
    %mul3A_23 = vector.broadcast %rsqrt3A : vector<1x128xf32> to vector<512x128xf32>
    %mul3A_24 = arith.mulf %mul3A_22, %mul3A_23 : vector<512x128xf32>
    %get3A_25 = arith.constant 0 : index
    %get3A_26 = arith.constant 0 : index
    %get3A_27 = vector.load %arg5[%get3A_25, %get3A_26] : memref<1x128xf32, #tpu.memory_space<vmem>>, vector<1x128xf32>
    %add3A_28 = vector.broadcast %get3A_27 : vector<1x128xf32> to vector<512x128xf32>
    %add3A_29 = arith.addf %mul3A_24, %add3A_28 : vector<512x128xf32>
    %max3A = arith.constant 0.000000e+00 : f32
    %max3A_30 = vector.broadcast %max3A : f32 to vector<512x128xf32>
    %max3A_31 = arith.maximumf %add3A_29, %max3A_30 : vector<512x128xf32>
    %get3A_32 = arith.constant 0 : index
    %get3A_33 = arith.constant 0 : index
    %get3A_34 = vector.load %arg2[%get3A_32, %get3A_33] : memref<512x128xf32, #tpu.memory_space<vmem>>, vector<512x128xf32>
    %add3A_35 = arith.addf %max3A_31, %get3A_34 : vector<512x128xf32>
    %max3A_36 = arith.constant 0.000000e+00 : f32
    %max3A_37 = vector.broadcast %max3A_36 : f32 to vector<512x128xf32>
    %max3A_38 = arith.maximumf %add3A_35, %max3A_37 : vector<512x128xf32>
    %swap3A = arith.constant 0 : index
    %swap3A_39 = arith.constant 0 : index
    %swap3A_40 = vector.load %arg6[%swap3A, %swap3A_39] : memref<512x128xf32, #tpu.memory_space<vmem>>, vector<512x128xf32>
    tpu.vector_store %arg6[%swap3A, %swap3A_39], %max3A_38 {strides = array<i32>} : memref<512x128xf32, #tpu.memory_space<vmem>>, vector<512x128xf32>,
    return
  }
  func.func @transform_0(%arg0: i32) -> (i32, i32) {
    %c0_i32 = arith.constant 0 : i32
    %c0_i32_0 = arith.constant 0 : i32
    return %arg0, %c0_i32 : i32, i32
  }
  func.func @transform_1(%arg0: i32) -> (i32, i32) {
    %c0_i32 = arith.constant 0 : i32
    %c0_i32_0 = arith.constant 0 : i32
    return %arg0, %c0_i32 : i32, i32
  }
  func.func @transform_2(%arg0: i32) -> (i32, i32) {
    %c0_i32 = arith.constant 0 : i32
    %c0_i32_0 = arith.constant 0 : i32
    %c0_i32_1 = arith.constant 0 : i32
    return %c0_i32, %c0_i32_0 : i32, i32
  }
  func.func @transform_3(%arg0: i32) -> (i32, i32) {
    %c0_i32 = arith.constant 0 : i32
    %c0_i32_0 = arith.constant 0 : i32
    %c0_i32_1 = arith.constant 0 : i32
    return %c0_i32, %c0_i32_0 : i32, i32
  }
  func.func @transform_4(%arg0: i32) -> (i32, i32) {
    %c0_i32 = arith.constant 0 : i32
    %c0_i32_0 = arith.constant 0 : i32
    %c0_i32_1 = arith.constant 0 : i32
    return %c0_i32, %c0_i32_0 : i32, i32
  }
  func.func @transform_5(%arg0: i32) -> (i32, i32) {
    %c0_i32 = arith.constant 0 : i32
    %c0_i32_0 = arith.constant 0 : i32
    return %arg0, %c0_i32 : i32, i32
  }
}

</mosaic_0001>

<sc_bundles>
// kernel: kernel.11.cloned.1.call-start
scs
__scs_entry_jumppad:
0x0: {  	(pc) =	sbr.rel $0x88, $3  }
0x1: {  	(tag) =	ssettag $0x0;
	lr =	simm.s32 $0x1  }
0x2: {  	[smem:$0x3F9B] =	sst lr;
	_ =	strace $0xD0000000  }
0x3: {  	_ = 	snop  }
0x4: {  	_ = 	snop  }
0x5: {  	_ = 	snop  }
0x6: {  	_ = 	snop  }
0x7: {  	_ = 	snop  }
__scs_overlays_trampoline_lowered:
0x8: {  	[smem:$0x3FAA] =	sst s0  }
0x9: {  	[smem:$0x3FAB] =	sst s1  }
0xa: {  	[smem:$0x3FAC] =	sst s2  }
0xb: {  	[smem:$0x3FAD] =	sst s3  }
0xc: {  	[smem:$0x3FAE] =	sst s4  }
0xd: {  	[smem:$0x3FAF] =	sst s5  }
0xe: {  	[smem:$0x3FB0] =	sst s6  }
0xf: {  	[smem:$0x3FB1] =	sst s7  }
0x10: {  	[smem:$0x3FB2] =	sst s8  }
0x11: {  	[smem:$0x3FB3] =	sst s9;
	s0 =	simm.s32 @!p0 $0x0  }
0x12: {  	s1 =	sld [smem:$0x3F99];
	s0 =	simm.s32 @p0 $0x1  }
0x13: {  	[smem:$0x3FB4] =	sst s0;
	s0 =	simm.s32 @!p1 $0x0  }
0x14: {  	s2 =	sld [smem:$0x3F98];
	s0 =	simm.s32 @p1 $0x1  }
0x15: {  	[smem:$0x3FB5] =	sst s0;
	s0 =	simm.s32 @!p2 $0x0  }
0x16: {  	s3 =	sld [smem:$0x3FDB];
	s0 =	simm.s32 @p2 $0x1  }
0x17: {  	s4 =	simm.s32 $0x1BF5;
	[smem:$0x3FB7] =	sst s0  }
0x18: {  	s0 =	sld [smem:$0x3F9A];
	_ =	swait.ge [sflag:s4], $0x0  }
0x19: {  	s7 =	sld [smem:$0x3F9B]  }
0x1a: {  	s8 =	sadd.s32 $0xFFFFE003, lr  }
0x1b: {  	s9 =	sadd.s32 $0xFFFFFEF7, lr;
	s5 =	simm.s32 $0xFFFFFFFF;
	p2 =	slt.u32 s8, $0xFFFFF086  }
0x1c: {  	p1 =	slt.u32 s9, $0xF7A;
	s5 =	simm.s32 @!p2 $0x0  }
0x1d: {  	s5 =	simm.s32 @p1 $0x1;
	p0 =	seq.s32 s7, s2  }
0x1e: {  	s7 =	smul.u32 @!p0 $0xF7A, s2;
	p2 =	seq.s32 @!p0 s5, $0x0  }
0x1f: {  	s9 =	smul.u32 $0xF7A, s1;
	s8 =	simm.s32 @!p0 $0x1BF5;
	p2 =	por !p2, p0  }
0x20: {  	[sflag:s8] =	ssyncset.s32 @!p0 $0xFFFFF086;
	s6 =	sadd.s32 @!p0 s3, s7;
	s7 =	simm.s32 @!p0 $0x108  }
0x21: {  	s3 =	sadd.s32 s3, s9;
	s6 =	sadd.s32 @!p0 $0x88, s6;
	s7 =	simm.s32 @p2 $0x1082  }
0x22: {  	[simem:s7], [sflag:s8] =	dma.local @!p0 [hbm:s6], $0xF7A  }
0x23: {  	s9 =	sor.u32 $0xD0000000, s2;
	s6 =	simm.s32 $0x108;
	_ =	swait.ge @!p0 [sflag:s8], $0x0  }
0x24: {  	s3 =	sadd.s32 $0x88, s3;
	s6 =	simm.s32 @!p1 $0x1082;
	[sflag:s4] =	ssyncset.s32 $0xFFFFF086  }
0x25: {  	[simem:s6], [sflag:s4] =	dma.local [hbm:s3], $0xF7A  }
0x26: {  	[smem:$0x3F9B] =	sst s1;
	(tag) =	ssettag s2;
	_ =	strace s9  }
0x27: {  	s1 =	sld [smem:$0x3FAB]  }
0x28: {  	s2 =	sld [smem:$0x3FAC]  }
0x29: {  	s4 =	sld [smem:$0x3FAE]  }
0x2a: {  	p0 =	seq.s32 s5, $0x0;
	s5 =	sld [smem:$0x3FAF]  }
0x2b: {  	s6 =	sld [smem:$0x3FB0]  }
0x2c: {  	s7 =	sld [smem:$0x3FB1]  }
0x2d: {  	s3 =	simm.s32 $0x108;
	s8 =	sld [smem:$0x3FB2]  }
0x2e: {  	s3 =	simm.s32 @!p0 $0x1082;
	s9 =	sld [smem:$0x3FB3]  }
0x2f: {  	lr =	sadd.s32 s0, s3;
	s0 =	sld [smem:$0x3FAA]  }
0x30: {  	s3 =	sld [smem:$0x3FAD]  }
0x31: {  	[smem:$0x3FB6] =	sst s10  }
0x32: {  	s10 =	sld [smem:$0x3FB4];
	_ =	sdelay $0x3  }
0x33: {  	p0 =	seq.s32 s10, $0x1;
	s10 =	sld [smem:$0x3FB6];
	_ =	sdelay $0x3  }
0x34: {  	[smem:$0x3FB6] =	sst s10  }
0x35: {  	s10 =	sld [smem:$0x3FB5];
	_ =	sdelay $0x3  }
0x36: {  	p1 =	seq.s32 s10, $0x1;
	s10 =	sld [smem:$0x3FB6];
	_ =	sdelay $0x3  }
0x37: {  	[smem:$0x3FB6] =	sst s10  }
0x38: {  	s10 =	sld [smem:$0x3FB7]  }
0x39: {  	_ = 	snop;
	(pc) =	sbr.ind lr, $3  }
0x3a: {  	_ = 	snop  }
0x3b: {  	_ = 	snop  }
0x3c: {  	p2 =	seq.s32 s10, $0x1;
	s10 =	sld [smem:$0x3FB6]  }
0x3d: {  	_ =	shalt  }
0x3e: {  	_ =	shalt  }
0x3f: {  	_ =	shalt  }
0x40: {  	_ =	shalt  }
0x41: {  	_ =	shalt  }
0x42: {  	_ =	shalt  }
0x43: {  	_ =	shalt  }
0x44: {  	_ =	shalt  }
0x45: {  	_ =	shalt  }
0x46: {  	_ =	shalt  }
0x47: {  	_ =	shalt  }
0x48: {  	_ =	shalt  }
0x49: {  	_ =	shalt  }
0x4a: {  	_ =	shalt  }
0x4b: {  	_ =	shalt  }
0x4c: {  	_ =	shalt  }
0x4d: {  	_ =	shalt  }
0x4e: {  	_ =	shalt  }
0x4f: {  	_ =	shalt  }
0x50: {  	_ =	shalt  }
0x51: {  	_ =	shalt  }
0x52: {  	_ =	shalt  }
0x53: {  	_ =	shalt  }
0x54: {  	_ =	shalt  }
0x55: {  	_ =	shalt  }
0x56: {  	_ =	shalt  }
0x57: {  	_ =	shalt  }
0x58: {  	_ =	shalt  }
0x59: {  	_ =	shalt  }
0x5a: {  	_ =	shalt  }
0x5b: {  	_ =	shalt  }
0x5c: {  	_ =	shalt  }
0x5d: {  	_ =	shalt  }
0x5e: {  	_ =	shalt  }
0x5f: {  	_ =	shalt  }
0x60: {  	_ =	shalt  }
0x61: {  	_ =	shalt  }
0x62: {  	_ =	shalt  }
0x63: {  	_ =	shalt  }
0x64: {  	_ =	shalt  }
0x65: {  	_ =	shalt  }
0x66: {  	_ =	shalt  }
0x67: {  	_ =	shalt  }
0x68: {  	_ =	shalt  }
0x69: {  	_ =	shalt  }
0x6a: {  	_ =	shalt  }
0x6b: {  	_ =	shalt  }
0x6c: {  	_ =	shalt  }
0x6d: {  	_ =	shalt  }
0x6e: {  	_ =	shalt  }
0x6f: {  	_ =	shalt  }
0x70: {  	_ =	shalt  }
0x71: {  	_ =	shalt  }
0x72: {  	_ =	shalt  }
0x73: {  	_ =	shalt  }
0x74: {  	_ =	shalt  }
0x75: {  	_ =	shalt  }
0x76: {  	_ =	shalt  }
0x77: {  	_ =	shalt  }
0x78: {  	_ =	shalt  }
0x79: {  	_ =	shalt  }
0x7a: {  	_ =	shalt  }
0x7b: {  	_ =	shalt  }
0x7c: {  	_ =	shalt  }
0x7d: {  	_ =	shalt  }
0x7e: {  	_ =	shalt  }
0x7f: {  	_ =	shalt  }
0x80: {  	_ =	shalt  }
0x81: {  	_ =	shalt  }
0x82: {  	_ =	shalt  }
0x83: {  	_ =	shalt  }
0x84: {  	_ =	shalt  }
0x85: {  	_ =	shalt  }
0x86: {  	_ =	shalt  }
0x87: {  	_ =	shalt  }
.Lfunc_end0:
.L_simem_size_0:
called_computation.1_lowered:
.L_overlay_start_0:
0x88: {  	s2 =	sld [smem:$0x3FD9]  }
0x89: {  	s3 =	sld [smem:$0x3FFE];
	_ =	sdelay $0x1  }
0x8a: {  	s1 =	srdreg.scid  }
0x8b: {  	s0 =	sand.u32 $0x1, s1  }
0x8c: {  	s16 =	sshll.u32 s0, $0xA;
	s2 =	sadd.s32 s3, s2  }
0x8d: {  	s2 =	sadd.s32 s2, s16  }
0x8e: {  	[smem:$0x3FC2] =	sst s2  }
0x8f: {  	_ = 	snop  }
0x90: {  	(tm) =	ssettm $0x1  }
0x91: {  	s17 =	sld [smem:$0x3FFB];
	_ =	sdelay $0x3  }
0x92: {  	_ =	strace s17  }
0x93: {  	s2 =	sld [smem:$0x3FFC];
	_ =	sdelay $0x3  }
0x94: {  	_ =	strace s2  }
0x95: {  	s2 =	sld [smem:$0x3FFD];
	_ =	sdelay $0x3  }
0x96: {  	_ =	strace s2  }
0x97: {  	_ =	strace $0x8FFFFFFF  }
0x98: {  	s18 =	sld [smem:$0x3FDB];
	_ =	sdelay $0x1  }
0x99: {  	s19 =	simm.s32 $_scs_section_size  }
0x9a: {  	s4 =	simm.s32 $_size__tile_overlayer_lowered;
	s5 =	simm.s32 $_tile_overlayer_lowered  }
0x9b: {  	s22 =	simm.s32 $0x1BFF;
	s21 =	sshll.u32 s5, $0x1;
	s2 =	sadd.s32 s19, s18  }
0x9c: {  	s6 =	simm.s32 $0x0;
	s20 =	sshll.u32 s4, $0x1;
	s4 =	sadd.s32 s21, s2  }
0x9d: {  	[timem:s6], [sflag:s22] =	dma.local [hbm:s4], s20  }
0x9e: {  	_ =	swait.ge [sflag:s22], s20  }
0x9f: {  	s3 =	ssub.s32 $0x0, s20;
	[sflag:s22] =	ssyncset.done $0x0  }
0xa0: {  	[sflag:s22] =	ssyncadd.s32 s3;
	_ =	sdelay $0x1  }
0xa1: {  	s23 =	simm.s32 $0x1B8B  }
0xa2: {  	_ =	swait.ge [sflag:s23], $0x1  }
0xa3: {  	[sflag:s23] =	ssyncset.done $0x0  }
0xa4: {  	s25 =	simm.s32 $0x1B8E;
	s24 =	sld [smem:$0x3FFE];
	[sflag:s23] =	ssyncadd.s32 $0xFFFFFFFF  }
0xa5: {  	s26 =	simm.s32 $execute0_lowered;
	[smem:$0x3FD2] =	sst s25  }
0xa6: {  	s4 =	sshll.u32 s26, $0x1;
	_ =	strace $0x80000049;
	[dreg:$0x1] =	wrdreg $0xFFFFFFFF  }
0xa7: {  	s28 =	simm.s32 $_size_execute0_lowered;
	s2 =	sadd.s32 s2, s4;
	[dreg:$0x0] =	wrdreg $0x0  }
0xa8: {  	s4 =	sshll.u32 s28, $0x1;
	[dreg:$0x2] =	wrdreg s2  }
0xa9: {  	[dreg:$0x3] =	wrdreg s4  }
0xaa: {  	[dreg:$0x4] =	wrdreg $0xC0  }
0xab: {  	_ =	task [dreg:s6], $0x5FFFF  }
0xac: {  	[dreg:$0x1] =	wrdreg $0xFFFFFFFF  }
0xad: {  	[dreg:$0x0] =	wrdreg $0x60  }
0xae: {  	[dreg:$0x2] =	wrdreg s24  }
0xaf: {  	[dreg:$0x3] =	wrdreg $0x58000  }
0xb0: {  	[dreg:$0x4] =	wrdreg $0x9  }
0xb1: {  	_ =	task.clear_ibuf [dreg:s6], $0x5FFFF;
	_ =	strace $0x90000049  }
0xb2: {  	s29 =	simm.s32 $0x9;
	_ =	strace $0x8000004B  }
0xb3: {  	_ =	swait.ge [sflag:s29], $0x1  }
0xb4: {  	[sflag:s29] =	ssyncadd.s32 $0xFFFFFFFF  }
0xb5: {  	_ =	strace $0x9000004B  }
0xb6: {  	_ =	sfence  }
0xb7: {  	s30 =	sld [smem:$0x0];
	_ =	sdelay $0x2  }
0xb8: {  	s31 =	sshll.u32 s1, $0xD;
	s1 =	sshrl.u32 s1, $0x2  }
0xb9: {  	s3 =	sand.u32 $0x4000, s31;
	s1 =	sadd.s32 s1, s30  }
0xba: {  	s0 =	sor.u32 s3, s0;
	s1 =	sshll.u32 s1, $0x11  }
0xbb: {  	s0 =	sor.u32 s1, s0  }
0xbc: {  	s0 =	sadd.s32 $0x8F2B, s0  }
0xbd: {  	[sflag:s0] =	ssyncadd.remote.s32 $0x1  }
0xbe: {  	_ =	sfence.sel $0xFFFF  }
0xbf: {  	[dreg:$0x0] =	wrdreg $0xFFFFFFFF;
	(pc) =	sbr.abs _section_cstart, $3  }
0xc0: {  	[dreg:$0x1] =	wrdreg $0xFFFFFFFF  }
0xc1: {  	_ =	task.clear_ibuf [dreg:s6], $0x2FFFF;
	_ =	strace $0x9FFFFFFF  }
0xc2: {  	(tm) =	ssettm $0x7FFFFFFF  }
0xc3: {  	_ =	shalt  }
tec
execute0_lowered:
.L_overlay_start_1:
0x0: {  	(tag) =	ssettag $0x1  }
0x1: {  	s0 =	rddreg [dreg:$0x0]  }
0x2: {  	s1 =	rddreg [dreg:$0x1]  }
0x3: {  	s2 =	srdreg.scid;
	s11 =	simm.s32 $0x0;
	s10 =	stileid.u32  }
0x4: {  	s28 =	simm.s32 $0x40;
	s29 =	simm.s32 $0x3800;
	s30 =	simm.s32 $0x1  }
0x5: {  	s12 =	simm.s32 $0x6;
	s13 =	simm.s32 $0x1500;
	s2 =	sand.u32 $0x1, s2  }
0x6: {  	[smem:$0x7FF] =	sst s11;
	s6 =	smul.u32 $0x14000, s10;
	s4 =	sadd.s32 $0x29A00, s0  }
0x7: {  	s5 =	sadd.s32 $0x1FA00, s0;
	s9 =	smul.u32 $0x50000, s10;
	s15 =	sshll.u32 s10, $0x4  }
0x8: {  	s3 =	smul.u32 $0x140000, s2;
	_ =	strace $0x8000004A;
	s7 =	ssub.s32 $0x2, s2  }
0x9: {  	p0 =	seq.s32 s2, $0x0;
	s2 =	smul.u32 $0x130, s10;
	s10 =	simm.s32 $0x5  }
0xa: {  	s8 =	sshrl.u32 s7, $0x1;
	s9 =	sshrl.u32 s9, $0x2;
	s3 =	sadd.s32 s6, s3  }
0xb: {  	s6 =	sadd.s32 $0xBA00, s0;
	s14 =	ssub.s32 s7, s8;
	s25 =	sadd.s32 s9, s1  }
0xc: {  	s7 =	simm.s32 $0x13;
	s16 =	sadd.s32 $0x2000, s25;
	[dreg:$0x4] =	wrdreg s25  }
0xd: {  	s8 =	sor.u32 $0x1300, s15;
	s17 =	sadd.s32 $0x4000, s25;
	[dreg:$0x5] =	wrdreg s16  }
0xe: {  	s15 =	simm.s32 $0x700;
	s18 =	sadd.s32 $0x6000, s25;
	[dreg:$0x6] =	wrdreg s17  }
0xf: {  	s3 =	sshrl.u32 s3, $0x3;
	s19 =	sadd.s32 $0x8000, s25;
	[dreg:$0x7] =	wrdreg s18  }
0x10: {  	s7 =	simm.s32 @!p0 $0x1;
	s20 =	sadd.s32 $0xA000, s25;
	[dreg:$0x8] =	wrdreg s19  }
0x11: {  	s8 =	smov.u32 @p0 s2;
	s21 =	sadd.s32 $0xC000, s25;
	[dreg:$0x9] =	wrdreg s20  }
0x12: {  	s22 =	sadd.s32 $0xE000, s25;
	s23 =	sadd.s32 $0x10000, s25;
	[dreg:$0xa] =	wrdreg s21  }
0x13: {  	s9 =	sadd.s32 $0x12000, s25;
	s31 =	smax.u32 s14, $0x1;
	[dreg:$0xb] =	wrdreg s22  }
0x14: {  	s14 =	simm.s32 $0x1580;
	s0 =	sadd.s32 s3, s0;
	[dreg:$0xc] =	wrdreg s23  }
0x15: {  	s24 =	sshll.u32 s8, $0x3;
	[dreg:$0xd] =	wrdreg s9;
	s26 =	sshll.u32 s8, $0x4  }
0x16: {  	[dreg:$0x11] =	wrdreg s31;
	s23 =	simm.s32 $0x1800;
	s16 =	simm.s32 $0x740  }
.Ltmp0:
0x17: {  	s17 =	simm.s32 $0x1600;
	s18 =	simm.s32 $0x1680;
	(pc) =	sbr.rel .LBB2_1-.Ltmp0, $4  }
0x18: {  	s19 =	simm.s32 $0x780;
	s20 =	simm.s32 $0x7C0;
	s2 =	sadd.s32 s5, s24  }
0x19: {  	s21 =	simm.s32 $0x1700;
	s0 =	sadd.s32 $0x51A00, s0;
	[dreg:$0xe] =	wrdreg s2  }
0x1a: {  	s22 =	simm.s32 $0x1780;
	s2 =	sadd.s32 s6, s26;
	[dreg:$0x10] =	wrdreg s0  }
0x1b: {  	v0 =	vimm.f32 $0.0e+00;
	s24 =	simm.s32 $0x7;
	s0 =	simm.s32 $0x2;
	[dreg:$0xf] =	wrdreg s2  }
.LBB2_8:
0x1c: {  	s2 =	stileid.u32;
	[bflag:$0x0] =	sbarrier.arrive $0xFFFF  }
0x1d: {  	s2 =	sshll.u32 s2, $0x6;
	s25 =	rddreg [dreg:$0x4]  }
0x1e: {  	s9 =	rddreg [dreg:$0x10];
	s2 =	sor.u32 $0x1C07, s2;
	s3 =	sshrl.u32 s25, $0x3  }
0x1f: {  	[hbm:s9], [sflag:s2] =	dma.local [spmem:s3], $0x2800  }
0x20: {  	_ =	swait.ge [sflag:s24], $0x2800  }
0x21: {  	s11 =	rddreg [dreg:$0x3]  }
0x22: {  	s31 =	rddreg [dreg:$0x11];
	s11 =	sadd.s32 $0x1, s11  }
0x23: {  	p0 =	sne.s32 s11, s31  }
.Ltmp1:
0x24: {  	_ = 	snop;
	(pc) =	sbr.rel @!p0 .LBB2_9-.Ltmp1, $3  }
0x25: {  	_ =	sdelay $0x1  }
0x26: {  	[sflag:s24] =	ssyncset.done $0x0  }
0x27: {  	[sflag:s24] =	ssyncadd.s32 $0xFFFFD800  }
.LBB2_1:
0x28: {  	[dreg:$0x3] =	wrdreg s11;
	s3 =	simm.s32 $0x0;
	s9 =	simm.s32 $0x200  }
.LBB2_2:
0x29: {  	p0 =	sne.s32 s9, $0x7E00;
	[tilespmem:s3+$0x1870] =	vst v0  }
0x2a: {  	[tilespmem:s3+$0x1800] =	vst v0  }
0x2b: {  	[tilespmem:s3+$0x1810] =	vst v0  }
.Ltmp2:
0x2c: {  	[tilespmem:s3+$0x1820] =	vst v0;
	(pc) =	sbr.rel @p0 .LBB2_2-.Ltmp2, $4  }
0x2d: {  	[tilespmem:s3+$0x1830] =	vst v0  }
0x2e: {  	[tilespmem:s3+$0x1840] =	vst v0  }
0x2f: {  	[tilespmem:s3+$0x1850] =	vst v0  }
0x30: {  	[tilespmem:s3+$0x1860] =	vst v0;
	s3 =	sshra.s32 s9, $0x2;
	s9 =	sadd.s32 $0x200, s9  }
0x31: {  	[tilespmem:s3+$0x1870] =	vst v0  }
0x32: {  	[tilespmem:s3+$0x1800] =	vst v0  }
0x33: {  	[tilespmem:s3+$0x1810] =	vst v0  }
0x34: {  	[tilespmem:s3+$0x1820] =	vst v0  }
0x35: {  	[tilespmem:s3+$0x1830] =	vst v0  }
0x36: {  	[tilespmem:s3+$0x1840] =	vst v0  }
0x37: {  	[tilespmem:s3+$0x1850] =	vst v0  }
0x38: {  	[tilespmem:s3+$0x1860] =	vst v0  }
0x39: {  	[spmem:s25] =	stream.linear.scatter [tilespmem:s23], [sflag:$0x7], $0x2000, $0x38;
	[tilespmem:$0x19800] =	vst v63  }
0x3a: {  	_ =	swait.ge [sflag:s24], $0x2000  }
0x3b: {  	[sflag:s24] =	ssyncset.done $0x0  }
0x3c: {  	s2 =	rddreg [dreg:$0x5];
	[sflag:s24] =	ssyncadd.s32 $0xFFFFE000  }
0x3d: {  	[spmem:s2] =	stream.linear.scatter [tilespmem:s23], [sflag:$0x7], $0x2000, $0x38;
	[tilespmem:$0x19800] =	vst v63  }
0x3e: {  	_ =	swait.ge [sflag:s24], $0x2000  }
0x3f: {  	[sflag:s24] =	ssyncset.done $0x0  }
0x40: {  	s3 =	rddreg [dreg:$0x6];
	[sflag:s24] =	ssyncadd.s32 $0xFFFFE000  }
0x41: {  	[spmem:s3] =	stream.linear.scatter [tilespmem:s23], [sflag:$0x7], $0x2000, $0x38;
	[tilespmem:$0x19800] =	vst v63  }
0x42: {  	_ =	swait.ge [sflag:s24], $0x2000  }
0x43: {  	[sflag:s24] =	ssyncset.done $0x0  }
0x44: {  	s9 =	rddreg [dreg:$0x7];
	[sflag:s24] =	ssyncadd.s32 $0xFFFFE000  }
0x45: {  	[spmem:s9] =	stream.linear.scatter [tilespmem:s23], [sflag:$0x7], $0x2000, $0x38;
	[tilespmem:$0x19800] =	vst v63  }
0x46: {  	_ =	swait.ge [sflag:s24], $0x2000  }
0x47: {  	[sflag:s24] =	ssyncset.done $0x0  }
0x48: {  	s11 =	rddreg [dreg:$0x8];
	[sflag:s24] =	ssyncadd.s32 $0xFFFFE000  }
0x49: {  	[spmem:s11] =	stream.linear.scatter [tilespmem:s23], [sflag:$0x7], $0x2000, $0x38;
	[tilespmem:$0x19800] =	vst v63  }
0x4a: {  	_ =	swait.ge [sflag:s24], $0x2000  }
0x4b: {  	[sflag:s24] =	ssyncset.done $0x0  }
0x4c: {  	s25 =	rddreg [dreg:$0x9];
	[sflag:s24] =	ssyncadd.s32 $0xFFFFE000  }
0x4d: {  	[spmem:s25] =	stream.linear.scatter [tilespmem:s23], [sflag:$0x7], $0x2000, $0x38;
	[tilespmem:$0x19800] =	vst v63  }
0x4e: {  	_ =	swait.ge [sflag:s24], $0x2000  }
0x4f: {  	[sflag:s24] =	ssyncset.done $0x0  }
0x50: {  	s26 =	rddreg [dreg:$0xa];
	[sflag:s24] =	ssyncadd.s32 $0xFFFFE000  }
0x51: {  	[spmem:s26] =	stream.linear.scatter [tilespmem:s23], [sflag:$0x7], $0x2000, $0x38;
	[tilespmem:$0x19800] =	vst v63  }
0x52: {  	_ =	swait.ge [sflag:s24], $0x2000  }
0x53: {  	[sflag:s24] =	ssyncset.done $0x0  }
0x54: {  	s31 =	rddreg [dreg:$0xb];
	[sflag:s24] =	ssyncadd.s32 $0xFFFFE000  }
0x55: {  	[spmem:s31] =	stream.linear.scatter [tilespmem:s23], [sflag:$0x7], $0x2000, $0x38;
	[tilespmem:$0x19800] =	vst v63  }
0x56: {  	_ =	swait.ge [sflag:s24], $0x2000  }
0x57: {  	[sflag:s24] =	ssyncset.done $0x0  }
0x58: {  	s3 =	rddreg [dreg:$0xc];
	[sflag:s24] =	ssyncadd.s32 $0xFFFFE000  }
0x59: {  	[spmem:s3] =	stream.linear.scatter [tilespmem:s23], [sflag:$0x7], $0x2000, $0x38;
	[tilespmem:$0x19800] =	vst v63  }
0x5a: {  	_ =	swait.ge [sflag:s24], $0x2000  }
0x5b: {  	[sflag:s24] =	ssyncset.done $0x0  }
0x5c: {  	s9 =	rddreg [dreg:$0xd];
	[sflag:s24] =	ssyncadd.s32 $0xFFFFE000  }
0x5d: {  	[spmem:s9] =	stream.linear.scatter [tilespmem:s23], [sflag:$0x7], $0x2000, $0x38;
	[tilespmem:$0x19800] =	vst v63  }
0x5e: {  	_ =	swait.ge [sflag:s24], $0x2000  }
0x5f: {  	[sflag:s24] =	ssyncset.done $0x0  }
0x60: {  	[sflag:s24] =	ssyncadd.s32 $0xFFFFE000  }
0x61: {  	[bflag:$0x0] =	sbarrier.arrive $0xFFFF  }
0x62: {  	s9 =	simm.s32 $0x0;
	s11 =	rddreg [dreg:$0xe]  }
0x63: {  	[tilespmem:s9], [sflag:$0x3] =	stream.linear.gather [hbm4b:s11+s9], $0x400, $0x38;
	[tilespmem:$0x19800] =	vst v63  }
0x64: {  	s26 =	simm.s32 $0x800;
	s31 =	simm.s32 $0x3;
	s25 =	rddreg [dreg:$0xf]  }
0x65: {  	[tilespmem:s26], [sflag:$0x3] =	stream.linear.gather [hbm4b:s25+s9], $0x800, $0x38;
	[tilespmem:$0x19800] =	vst v63  }
0x66: {  	_ =	swait.ge [sflag:s31], $0x400  }
0x67: {  	[sflag:s31] =	ssyncset.done $0x0  }
0x68: {  	[sflag:s31] =	ssyncadd.s32 $0xFFFFFC00  }
0x69: {  	_ =	swait.ge [sflag:s31], $0x800  }
.Ltmp3:
0x6a: {  	[sflag:s31] =	ssyncset.done $0x0;
	(pc) =	sbr.rel .LBB2_4-.Ltmp3, $4  }
0x6b: {  	[sflag:s31] =	ssyncadd.s32 $0xFFFFF800  }
0x6c: {  	[tilespmem:s23], [sflag:$0x1] =	stream.indirect.gather [hbm4b:s4+s28], $0x80, s9, s28, $0xb8;
	[tilespmem:$0x19800] =	vst v63  }
0x6d: {  	_ = 	snop  }
0x6e: {  	[tilespmem:s29], [sflag:$0x2] =	stream.indirect.gather [hbm4b:s4+s28], $0x80, s28, s28, $0xb8;
	[tilespmem:$0x19800] =	vst v63  }
.LBB2_6:
0x6f: {  	s26 =	sadd.s32 $0x1, s9  }
0x70: {  	p0 =	sge.u32 s26, s7  }
0x71: {  	s2 =	sshll.u32 @!p0 s26, $0x4  }
0x72: {  	s2 =	sadd.s32 @!p0 s8, s2  }
0x73: {  	s3 =	sshll.u32 @!p0 s2, $0x3  }
0x74: {  	s9 =	simm.s32 @!p0 $0x0;
	s2 =	sshll.u32 @!p0 s2, $0x4;
	s3 =	sadd.s32 @!p0 s5, s3  }
0x75: {  	[tilespmem:s9], [sflag:$0x3] =	stream.linear.gather @!p0 [hbm4b:s3+s9], $0x400, $0x38;
	[tilespmem:$0x19800] =	vst v63  }
0x76: {  	s2 =	sadd.s32 @!p0 s6, s2;
	s3 =	simm.s32 @!p0 $0x800  }
0x77: {  	[tilespmem:s3], [sflag:$0x3] =	stream.linear.gather @!p0 [hbm4b:s2+s9], $0x800, $0x38;
	[tilespmem:$0x19800] =	vst v63  }
0x78: {  	_ =	swait.ge [sflag:s30], $0x2000  }
0x79: {  	[sflag:s30] =	ssyncset.done $0x0  }
0x7a: {  	s3 =	simm.s32 $0x1000;
	[sflag:s30] =	ssyncadd.s32 $0xFFFFE000  }
0x7b: {  	[spmem:s1] =	stream.indirect.scatter.add.f32 [tilespmem:s23], [sflag:$0x5], $0x80, s3, s28, $0xb8;
	[tilespmem:$0x19800] =	vst v63  }
0x7c: {  	_ =	swait.ge [sflag:s0], $0x2000  }
0x7d: {  	[sflag:s0] =	ssyncset.done $0x0  }
0x7e: {  	s9 =	simm.s32 $0x1080;
	[sflag:s0] =	ssyncadd.s32 $0xFFFFE000  }
0x7f: {  	[spmem:s1] =	stream.indirect.scatter.add.f32 [tilespmem:s29], [sflag:$0x6], $0x80, s9, s28, $0xb8;
	[tilespmem:$0x19800] =	vst v63  }
0x80: {  	_ =	swait.ge [sflag:s10], $0x2000  }
0x81: {  	[sflag:s10] =	ssyncset.done $0x0  }
0x82: {  	s11 =	simm.s32 $0x480;
	[sflag:s10] =	ssyncadd.s32 $0xFFFFE000  }
0x83: {  	[tilespmem:s23], [sflag:$0x1] =	stream.indirect.gather [hbm4b:s4+s28], $0x80, s11, s28, $0xb8;
	[tilespmem:$0x19800] =	vst v63  }
0x84: {  	_ =	swait.ge [sflag:s12], $0x2000  }
0x85: {  	[sflag:s12] =	ssyncset.done $0x0  }
0x86: {  	s25 =	simm.s32 $0x4C0;
	[sflag:s12] =	ssyncadd.s32 $0xFFFFE000  }
0x87: {  	[tilespmem:s29], [sflag:$0x2] =	stream.indirect.gather [hbm4b:s4+s28], $0x80, s25, s28, $0xb8;
	[tilespmem:$0x19800] =	vst v63  }
0x88: {  	_ =	swait.ge [sflag:s30], $0x2000  }
0x89: {  	[sflag:s30] =	ssyncset.done $0x0  }
0x8a: {  	s31 =	simm.s32 $0x1100;
	[sflag:s30] =	ssyncadd.s32 $0xFFFFE000  }
0x8b: {  	[spmem:s1] =	stream.indirect.scatter.add.f32 [tilespmem:s23], [sflag:$0x5], $0x80, s31, s28, $0xb8;
	[tilespmem:$0x19800] =	vst v63  }
0x8c: {  	_ =	swait.ge [sflag:s0], $0x2000  }
0x8d: {  	[sflag:s0] =	ssyncset.done $0x0  }
0x8e: {  	s3 =	simm.s32 $0x1180;
	[sflag:s0] =	ssyncadd.s32 $0xFFFFE000  }
0x8f: {  	[spmem:s1] =	stream.indirect.scatter.add.f32 [tilespmem:s29], [sflag:$0x6], $0x80, s3, s28, $0xb8;
	[tilespmem:$0x19800] =	vst v63  }
0x90: {  	_ =	swait.ge [sflag:s10], $0x2000  }
0x91: {  	[sflag:s10] =	ssyncset.done $0x0  }
0x92: {  	s9 =	simm.s32 $0x500;
	[sflag:s10] =	ssyncadd.s32 $0xFFFFE000  }
0x93: {  	[tilespmem:s23], [sflag:$0x1] =	stream.indirect.gather [hbm4b:s4+s28], $0x80, s9, s28, $0xb8;
	[tilespmem:$0x19800] =	vst v63  }
0x94: {  	_ =	swait.ge [sflag:s12], $0x2000  }
0x95: {  	[sflag:s12] =	ssyncset.done $0x0  }
0x96: {  	s11 =	simm.s32 $0x540;
	[sflag:s12] =	ssyncadd.s32 $0xFFFFE000  }
0x97: {  	[tilespmem:s29], [sflag:$0x2] =	stream.indirect.gather [hbm4b:s4+s28], $0x80, s11, s28, $0xb8;
	[tilespmem:$0x19800] =	vst v63  }
0x98: {  	_ =	swait.ge [sflag:s30], $0x2000  }
0x99: {  	[sflag:s30] =	ssyncset.done $0x0  }
0x9a: {  	s25 =	simm.s32 $0x1200;
	[sflag:s30] =	ssyncadd.s32 $0xFFFFE000  }
0x9b: {  	[spmem:s1] =	stream.indirect.scatter.add.f32 [tilespmem:s23], [sflag:$0x5], $0x80, s25, s28, $0xb8;
	[tilespmem:$0x19800] =	vst v63  }
0x9c: {  	_ =	swait.ge [sflag:s0], $0x2000  }
0x9d: {  	[sflag:s0] =	ssyncset.done $0x0  }
0x9e: {  	s31 =	simm.s32 $0x1280;
	[sflag:s0] =	ssyncadd.s32 $0xFFFFE000  }
0x9f: {  	[spmem:s1] =	stream.indirect.scatter.add.f32 [tilespmem:s29], [sflag:$0x6], $0x80, s31, s28, $0xb8;
	[tilespmem:$0x19800] =	vst v63  }
0xa0: {  	_ =	swait.ge [sflag:s10], $0x2000  }
0xa1: {  	[sflag:s10] =	ssyncset.done $0x0  }
0xa2: {  	s3 =	simm.s32 $0x580;
	[sflag:s10] =	ssyncadd.s32 $0xFFFFE000  }
0xa3: {  	[tilespmem:s23], [sflag:$0x1] =	stream.indirect.gather [hbm4b:s4+s28], $0x80, s3, s28, $0xb8;
	[tilespmem:$0x19800] =	vst v63  }
0xa4: {  	_ =	swait.ge [sflag:s12], $0x2000  }
0xa5: {  	[sflag:s12] =	ssyncset.done $0x0  }
0xa6: {  	s9 =	simm.s32 $0x5C0;
	[sflag:s12] =	ssyncadd.s32 $0xFFFFE000  }
0xa7: {  	[tilespmem:s29], [sflag:$0x2] =	stream.indirect.gather [hbm4b:s4+s28], $0x80, s9, s28, $0xb8;
	[tilespmem:$0x19800] =	vst v63  }
0xa8: {  	_ =	swait.ge [sflag:s30], $0x2000  }
0xa9: {  	[sflag:s30] =	ssyncset.done $0x0  }
0xaa: {  	s11 =	simm.s32 $0x1300;
	[sflag:s30] =	ssyncadd.s32 $0xFFFFE000  }
0xab: {  	[spmem:s1] =	stream.indirect.scatter.add.f32 [tilespmem:s23], [sflag:$0x5], $0x80, s11, s28, $0xb8;
	[tilespmem:$0x19800] =	vst v63  }
0xac: {  	_ =	swait.ge [sflag:s0], $0x2000  }
0xad: {  	[sflag:s0] =	ssyncset.done $0x0  }
0xae: {  	s25 =	simm.s32 $0x1380;
	[sflag:s0] =	ssyncadd.s32 $0xFFFFE000  }
0xaf: {  	[spmem:s1] =	stream.indirect.scatter.add.f32 [tilespmem:s29], [sflag:$0x6], $0x80, s25, s28, $0xb8;
	[tilespmem:$0x19800] =	vst v63  }
0xb0: {  	_ =	swait.ge [sflag:s10], $0x2000  }
0xb1: {  	[sflag:s10] =	ssyncset.done $0x0  }
0xb2: {  	s31 =	simm.s32 $0x600;
	[sflag:s10] =	ssyncadd.s32 $0xFFFFE000  }
0xb3: {  	[tilespmem:s23], [sflag:$0x1] =	stream.indirect.gather [hbm4b:s4+s28], $0x80, s31, s28, $0xb8;
	[tilespmem:$0x19800] =	vst v63  }
0xb4: {  	_ =	swait.ge [sflag:s12], $0x2000  }
0xb5: {  	[sflag:s12] =	ssyncset.done $0x0  }
0xb6: {  	s3 =	simm.s32 $0x640;
	[sflag:s12] =	ssyncadd.s32 $0xFFFFE000  }
0xb7: {  	[tilespmem:s29], [sflag:$0x2] =	stream.indirect.gather [hbm4b:s4+s28], $0x80, s3, s28, $0xb8;
	[tilespmem:$0x19800] =	vst v63  }
0xb8: {  	_ =	swait.ge [sflag:s30], $0x2000  }
0xb9: {  	[sflag:s30] =	ssyncset.done $0x0  }
0xba: {  	s9 =	simm.s32 $0x1400;
	[sflag:s30] =	ssyncadd.s32 $0xFFFFE000  }
0xbb: {  	[spmem:s1] =	stream.indirect.scatter.add.f32 [tilespmem:s23], [sflag:$0x5], $0x80, s9, s28, $0xb8;
	[tilespmem:$0x19800] =	vst v63  }
0xbc: {  	_ =	swait.ge [sflag:s0], $0x2000  }
0xbd: {  	[sflag:s0] =	ssyncset.done $0x0  }
0xbe: {  	s11 =	simm.s32 $0x1480;
	[sflag:s0] =	ssyncadd.s32 $0xFFFFE000  }
0xbf: {  	[spmem:s1] =	stream.indirect.scatter.add.f32 [tilespmem:s29], [sflag:$0x6], $0x80, s11, s28, $0xb8;
	[tilespmem:$0x19800] =	vst v63  }
0xc0: {  	_ =	swait.ge [sflag:s10], $0x2000  }
0xc1: {  	[sflag:s10] =	ssyncset.done $0x0  }
0xc2: {  	s25 =	simm.s32 $0x680;
	[sflag:s10] =	ssyncadd.s32 $0xFFFFE000  }
0xc3: {  	[tilespmem:s23], [sflag:$0x1] =	stream.indirect.gather [hbm4b:s4+s28], $0x80, s25, s28, $0xb8;
	[tilespmem:$0x19800] =	vst v63  }
0xc4: {  	_ =	swait.ge [sflag:s12], $0x2000  }
0xc5: {  	[sflag:s12] =	ssyncset.done $0x0  }
0xc6: {  	s31 =	simm.s32 $0x6C0;
	[sflag:s12] =	ssyncadd.s32 $0xFFFFE000  }
0xc7: {  	[tilespmem:s29], [sflag:$0x2] =	stream.indirect.gather [hbm4b:s4+s28], $0x80, s31, s28, $0xb8;
	[tilespmem:$0x19800] =	vst v63  }
0xc8: {  	_ =	swait.ge [sflag:s30], $0x2000  }
0xc9: {  	[sflag:s30] =	ssyncset.done $0x0  }
0xca: {  	[sflag:s30] =	ssyncadd.s32 $0xFFFFE000  }
0xcb: {  	[spmem:s1] =	stream.indirect.scatter.add.f32 [tilespmem:s23], [sflag:$0x5], $0x80, s13, s28, $0xb8;
	[tilespmem:$0x19800] =	vst v63  }
0xcc: {  	_ =	swait.ge [sflag:s0], $0x2000  }
0xcd: {  	[sflag:s0] =	ssyncset.done $0x0  }
0xce: {  	[sflag:s0] =	ssyncadd.s32 $0xFFFFE000  }
0xcf: {  	[spmem:s1] =	stream.indirect.scatter.add.f32 [tilespmem:s29], [sflag:$0x6], $0x80, s14, s28, $0xb8;
	[tilespmem:$0x19800] =	vst v63  }
0xd0: {  	_ =	swait.ge [sflag:s10], $0x2000  }
0xd1: {  	[sflag:s10] =	ssyncset.done $0x0  }
0xd2: {  	[sflag:s10] =	ssyncadd.s32 $0xFFFFE000  }
0xd3: {  	[tilespmem:s23], [sflag:$0x1] =	stream.indirect.gather [hbm4b:s4+s28], $0x80, s15, s28, $0xb8;
	[tilespmem:$0x19800] =	vst v63  }
0xd4: {  	_ =	swait.ge [sflag:s12], $0x2000  }
0xd5: {  	[sflag:s12] =	ssyncset.done $0x0  }
0xd6: {  	[sflag:s12] =	ssyncadd.s32 $0xFFFFE000  }
0xd7: {  	[tilespmem:s29], [sflag:$0x2] =	stream.indirect.gather [hbm4b:s4+s28], $0x80, s16, s28, $0xb8;
	[tilespmem:$0x19800] =	vst v63  }
0xd8: {  	_ =	swait.ge [sflag:s30], $0x2000  }
0xd9: {  	[sflag:s30] =	ssyncset.done $0x0  }
0xda: {  	[sflag:s30] =	ssyncadd.s32 $0xFFFFE000  }
0xdb: {  	[spmem:s1] =	stream.indirect.scatter.add.f32 [tilespmem:s23], [sflag:$0x5], $0x80, s17, s28, $0xb8;
	[tilespmem:$0x19800] =	vst v63  }
0xdc: {  	_ =	swait.ge [sflag:s0], $0x2000  }
0xdd: {  	[sflag:s0] =	ssyncset.done $0x0  }
0xde: {  	[sflag:s0] =	ssyncadd.s32 $0xFFFFE000  }
0xdf: {  	[spmem:s1] =	stream.indirect.scatter.add.f32 [tilespmem:s29], [sflag:$0x6], $0x80, s18, s28, $0xb8;
	[tilespmem:$0x19800] =	vst v63  }
0xe0: {  	_ =	swait.ge [sflag:s10], $0x2000  }
0xe1: {  	[sflag:s10] =	ssyncset.done $0x0  }
0xe2: {  	[sflag:s10] =	ssyncadd.s32 $0xFFFFE000  }
0xe3: {  	[tilespmem:s23], [sflag:$0x1] =	stream.indirect.gather [hbm4b:s4+s28], $0x80, s19, s28, $0xb8;
	[tilespmem:$0x19800] =	vst v63  }
0xe4: {  	_ =	swait.ge [sflag:s12], $0x2000  }
0xe5: {  	[sflag:s12] =	ssyncset.done $0x0  }
0xe6: {  	[sflag:s12] =	ssyncadd.s32 $0xFFFFE000  }
0xe7: {  	[tilespmem:s29], [sflag:$0x2] =	stream.indirect.gather [hbm4b:s4+s28], $0x80, s20, s28, $0xb8;
	[tilespmem:$0x19800] =	vst v63  }
0xe8: {  	_ =	swait.ge [sflag:s30], $0x2000  }
0xe9: {  	[sflag:s30] =	ssyncset.done $0x0  }
0xea: {  	[sflag:s30] =	ssyncadd.s32 $0xFFFFE000  }
0xeb: {  	[spmem:s1] =	stream.indirect.scatter.add.f32 [tilespmem:s23], [sflag:$0x5], $0x80, s21, s28, $0xb8;
	[tilespmem:$0x19800] =	vst v63  }
0xec: {  	_ =	swait.ge [sflag:s0], $0x2000  }
0xed: {  	[sflag:s0] =	ssyncset.done $0x0  }
0xee: {  	[sflag:s0] =	ssyncadd.s32 $0xFFFFE000  }
0xef: {  	[spmem:s1] =	stream.indirect.scatter.add.f32 [tilespmem:s29], [sflag:$0x6], $0x80, s22, s28, $0xb8;
	[tilespmem:$0x19800] =	vst v63  }
0xf0: {  	_ =	swait.ge [sflag:s10], $0x2000  }
0xf1: {  	p0 =	slt.u32 s26, s7;
	[sflag:s10] =	ssyncset.done $0x0  }
0xf2: {  	s2 =	simm.s32 @p0 $0x3;
	[sflag:s10] =	ssyncadd.s32 $0xFFFFE000  }
0xf3: {  	_ =	swait.ge @p0 [sflag:s2], $0x400  }
0xf4: {  	[sflag:s2] =	ssyncset.done @p0 $0x0  }
0xf5: {  	[sflag:s2] =	ssyncadd.s32 @p0 $0xFFFFFC00  }
0xf6: {  	_ =	swait.ge @p0 [sflag:s2], $0x800  }
0xf7: {  	s3 =	simm.s32 @p0 $0x0;
	[sflag:s2] =	ssyncset.done @p0 $0x0  }
0xf8: {  	s9 =	simm.s32 @p0 $0x1800;
	[sflag:s2] =	ssyncadd.s32 @p0 $0xFFFFF800;
	s2 =	simm.s32 @p0 $0x40  }
0xf9: {  	[tilespmem:s9], [sflag:$0x1] =	stream.indirect.gather @p0 [hbm4b:s4+s2], $0x80, s3, s2, $0xb8;
	[tilespmem:$0x19800] =	vst v63  }
0xfa: {  	s3 =	simm.s32 @p0 $0x6  }
0xfb: {  	_ =	swait.ge @p0 [sflag:s3], $0x2000  }
0xfc: {  	[sflag:s3] =	ssyncset.done @p0 $0x0  }
0xfd: {  	[sflag:s3] =	ssyncadd.s32 @p0 $0xFFFFE000;
	s3 =	simm.s32 @p0 $0x3800  }
0xfe: {  	[tilespmem:s3], [sflag:$0x2] =	stream.indirect.gather @p0 [hbm4b:s4+s2], $0x80, s2, s2, $0xb8;
	[tilespmem:$0x19800] =	vst v63  }
0xff: {  	s2 =	simm.s32 @!p0 $0x6  }
0x100: {  	_ =	swait.ge @!p0 [sflag:s2], $0x2000  }
0x101: {  	[sflag:s2] =	ssyncset.done @!p0 $0x0  }
0x102: {  	[sflag:s2] =	ssyncadd.s32 @!p0 $0xFFFFE000  }
.LBB2_7:
0x103: {  	p0 =	sne.s32 s26, s7  }
.Ltmp4:
0x104: {  	_ = 	snop;
	(pc) =	sbr.rel @!p0 .LBB2_8-.Ltmp4, $2  }
0x105: {  	_ =	sdelay $0x2  }
0x106: {  	s9 =	smov.u32 s26  }
.LBB2_4:
0x107: {  	s3 =	sand.u32 $0x1, s9  }
0x108: {  	p0 =	seq.s32 s3, $0x1  }
.Ltmp5:
0x109: {  	_ = 	snop;
	(pc) =	sbr.rel @p0 .LBB2_6-.Ltmp5, $1  }
0x10a: {  	_ =	sdelay $0x3  }
0x10b: {  	s26 =	sor.u32 $0x1, s9  }
0x10c: {  	p0 =	sge.u32 s26, s7  }
0x10d: {  	s25 =	sshll.u32 @!p0 s26, $0x4  }
0x10e: {  	s25 =	sadd.s32 @!p0 s8, s25  }
0x10f: {  	s31 =	sshll.u32 @!p0 s25, $0x3  }
0x110: {  	s2 =	simm.s32 @!p0 $0x0;
	s11 =	simm.s32 @!p0 $0x400;
	s31 =	sadd.s32 @!p0 s5, s31  }
0x111: {  	[tilespmem:s11], [sflag:$0x4] =	stream.linear.gather @!p0 [hbm4b:s31+s2], $0x400, $0x38;
	[tilespmem:$0x19800] =	vst v63  }
0x112: {  	s11 =	sshll.u32 @!p0 s25, $0x4  }
0x113: {  	s25 =	simm.s32 @!p0 $0x1000;
	s11 =	sadd.s32 @!p0 s6, s11  }
0x114: {  	[tilespmem:s25], [sflag:$0x4] =	stream.linear.gather @!p0 [hbm4b:s11+s2], $0x800, $0x38;
	[tilespmem:$0x19800] =	vst v63  }
0x115: {  	_ =	swait.ge [sflag:s30], $0x2000  }
0x116: {  	[sflag:s30] =	ssyncset.done $0x0  }
0x117: {  	s11 =	simm.s32 $0x800;
	[sflag:s30] =	ssyncadd.s32 $0xFFFFE000  }
0x118: {  	[spmem:s1] =	stream.indirect.scatter.add.f32 [tilespmem:s23], [sflag:$0x5], $0x80, s11, s28, $0xb8;
	[tilespmem:$0x19800] =	vst v63  }
0x119: {  	_ =	swait.ge [sflag:s0], $0x2000  }
0x11a: {  	[sflag:s0] =	ssyncset.done $0x0  }
0x11b: {  	s25 =	simm.s32 $0x880;
	[sflag:s0] =	ssyncadd.s32 $0xFFFFE000  }
0x11c: {  	[spmem:s1] =	stream.indirect.scatter.add.f32 [tilespmem:s29], [sflag:$0x6], $0x80, s25, s28, $0xb8;
	[tilespmem:$0x19800] =	vst v63  }
0x11d: {  	_ =	swait.ge [sflag:s10], $0x2000  }
0x11e: {  	[sflag:s10] =	ssyncset.done $0x0  }
0x11f: {  	s31 =	simm.s32 $0x80;
	[sflag:s10] =	ssyncadd.s32 $0xFFFFE000  }
0x120: {  	[tilespmem:s23], [sflag:$0x1] =	stream.indirect.gather [hbm4b:s4+s28], $0x80, s31, s28, $0xb8;
	[tilespmem:$0x19800] =	vst v63  }
0x121: {  	_ =	swait.ge [sflag:s12], $0x2000  }
0x122: {  	[sflag:s12] =	ssyncset.done $0x0  }
0x123: {  	s11 =	simm.s32 $0xC0;
	[sflag:s12] =	ssyncadd.s32 $0xFFFFE000  }
0x124: {  	[tilespmem:s29], [sflag:$0x2] =	stream.indirect.gather [hbm4b:s4+s28], $0x80, s11, s28, $0xb8;
	[tilespmem:$0x19800] =	vst v63  }
0x125: {  	_ =	swait.ge [sflag:s30], $0x2000  }
0x126: {  	[sflag:s30] =	ssyncset.done $0x0  }
0x127: {  	s25 =	simm.s32 $0x900;
	[sflag:s30] =	ssyncadd.s32 $0xFFFFE000  }
0x128: {  	[spmem:s1] =	stream.indirect.scatter.add.f32 [tilespmem:s23], [sflag:$0x5], $0x80, s25, s28, $0xb8;
	[tilespmem:$0x19800] =	vst v63  }
0x129: {  	_ =	swait.ge [sflag:s0], $0x2000  }
0x12a: {  	[sflag:s0] =	ssyncset.done $0x0  }
0x12b: {  	s31 =	simm.s32 $0x980;
	[sflag:s0] =	ssyncadd.s32 $0xFFFFE000  }
0x12c: {  	[spmem:s1] =	stream.indirect.scatter.add.f32 [tilespmem:s29], [sflag:$0x6], $0x80, s31, s28, $0xb8;
	[tilespmem:$0x19800] =	vst v63  }
0x12d: {  	_ =	swait.ge [sflag:s10], $0x2000  }
0x12e: {  	[sflag:s10] =	ssyncset.done $0x0  }
0x12f: {  	s11 =	simm.s32 $0x100;
	[sflag:s10] =	ssyncadd.s32 $0xFFFFE000  }
0x130: {  	[tilespmem:s23], [sflag:$0x1] =	stream.indirect.gather [hbm4b:s4+s28], $0x80, s11, s28, $0xb8;
	[tilespmem:$0x19800] =	vst v63  }
0x131: {  	_ =	swait.ge [sflag:s12], $0x2000  }
0x132: {  	[sflag:s12] =	ssyncset.done $0x0  }
0x133: {  	s25 =	simm.s32 $0x140;
	[sflag:s12] =	ssyncadd.s32 $0xFFFFE000  }
0x134: {  	[tilespmem:s29], [sflag:$0x2] =	stream.indirect.gather [hbm4b:s4+s28], $0x80, s25, s28, $0xb8;
	[tilespmem:$0x19800] =	vst v63  }
0x135: {  	_ =	swait.ge [sflag:s30], $0x2000  }
0x136: {  	[sflag:s30] =	ssyncset.done $0x0  }
0x137: {  	s31 =	simm.s32 $0xA00;
	[sflag:s30] =	ssyncadd.s32 $0xFFFFE000  }
0x138: {  	[spmem:s1] =	stream.indirect.scatter.add.f32 [tilespmem:s23], [sflag:$0x5], $0x80, s31, s28, $0xb8;
	[tilespmem:$0x19800] =	vst v63  }
0x139: {  	_ =	swait.ge [sflag:s0], $0x2000  }
0x13a: {  	[sflag:s0] =	ssyncset.done $0x0  }
0x13b: {  	s11 =	simm.s32 $0xA80;
	[sflag:s0] =	ssyncadd.s32 $0xFFFFE000  }
0x13c: {  	[spmem:s1] =	stream.indirect.scatter.add.f32 [tilespmem:s29], [sflag:$0x6], $0x80, s11, s28, $0xb8;
	[tilespmem:$0x19800] =	vst v63  }
0x13d: {  	_ =	swait.ge [sflag:s10], $0x2000  }
0x13e: {  	[sflag:s10] =	ssyncset.done $0x0  }
0x13f: {  	s25 =	simm.s32 $0x180;
	[sflag:s10] =	ssyncadd.s32 $0xFFFFE000  }
0x140: {  	[tilespmem:s23], [sflag:$0x1] =	stream.indirect.gather [hbm4b:s4+s28], $0x80, s25, s28, $0xb8;
	[tilespmem:$0x19800] =	vst v63  }
0x141: {  	_ =	swait.ge [sflag:s12], $0x2000  }
0x142: {  	[sflag:s12] =	ssyncset.done $0x0  }
0x143: {  	s31 =	simm.s32 $0x1C0;
	[sflag:s12] =	ssyncadd.s32 $0xFFFFE000  }
0x144: {  	[tilespmem:s29], [sflag:$0x2] =	stream.indirect.gather [hbm4b:s4+s28], $0x80, s31, s28, $0xb8;
	[tilespmem:$0x19800] =	vst v63  }
0x145: {  	_ =	swait.ge [sflag:s30], $0x2000  }
0x146: {  	[sflag:s30] =	ssyncset.done $0x0  }
0x147: {  	s11 =	simm.s32 $0xB00;
	[sflag:s30] =	ssyncadd.s32 $0xFFFFE000  }
0x148: {  	[spmem:s1] =	stream.indirect.scatter.add.f32 [tilespmem:s23], [sflag:$0x5], $0x80, s11, s28, $0xb8;
	[tilespmem:$0x19800] =	vst v63  }
0x149: {  	_ =	swait.ge [sflag:s0], $0x2000  }
0x14a: {  	[sflag:s0] =	ssyncset.done $0x0  }
0x14b: {  	s25 =	simm.s32 $0xB80;
	[sflag:s0] =	ssyncadd.s32 $0xFFFFE000  }
0x14c: {  	[spmem:s1] =	stream.indirect.scatter.add.f32 [tilespmem:s29], [sflag:$0x6], $0x80, s25, s28, $0xb8;
	[tilespmem:$0x19800] =	vst v63  }
0x14d: {  	_ =	swait.ge [sflag:s10], $0x2000  }
0x14e: {  	[sflag:s10] =	ssyncset.done $0x0  }
0x14f: {  	s31 =	simm.s32 $0x200;
	[sflag:s10] =	ssyncadd.s32 $0xFFFFE000  }
0x150: {  	[tilespmem:s23], [sflag:$0x1] =	stream.indirect.gather [hbm4b:s4+s28], $0x80, s31, s28, $0xb8;
	[tilespmem:$0x19800] =	vst v63  }
0x151: {  	_ =	swait.ge [sflag:s12], $0x2000  }
0x152: {  	[sflag:s12] =	ssyncset.done $0x0  }
0x153: {  	s11 =	simm.s32 $0x240;
	[sflag:s12] =	ssyncadd.s32 $0xFFFFE000  }
0x154: {  	[tilespmem:s29], [sflag:$0x2] =	stream.indirect.gather [hbm4b:s4+s28], $0x80, s11, s28, $0xb8;
	[tilespmem:$0x19800] =	vst v63  }
0x155: {  	_ =	swait.ge [sflag:s30], $0x2000  }
0x156: {  	[sflag:s30] =	ssyncset.done $0x0  }
0x157: {  	s25 =	simm.s32 $0xC00;
	[sflag:s30] =	ssyncadd.s32 $0xFFFFE000  }
0x158: {  	[spmem:s1] =	stream.indirect.scatter.add.f32 [tilespmem:s23], [sflag:$0x5], $0x80, s25, s28, $0xb8;
	[tilespmem:$0x19800] =	vst v63  }
0x159: {  	_ =	swait.ge [sflag:s0], $0x2000  }
0x15a: {  	[sflag:s0] =	ssyncset.done $0x0  }
0x15b: {  	s31 =	simm.s32 $0xC80;
	[sflag:s0] =	ssyncadd.s32 $0xFFFFE000  }
0x15c: {  	[spmem:s1] =	stream.indirect.scatter.add.f32 [tilespmem:s29], [sflag:$0x6], $0x80, s31, s28, $0xb8;
	[tilespmem:$0x19800] =	vst v63  }
0x15d: {  	_ =	swait.ge [sflag:s10], $0x2000  }
0x15e: {  	[sflag:s10] =	ssyncset.done $0x0  }
0x15f: {  	s11 =	simm.s32 $0x280;
	[sflag:s10] =	ssyncadd.s32 $0xFFFFE000  }
0x160: {  	[tilespmem:s23], [sflag:$0x1] =	stream.indirect.gather [hbm4b:s4+s28], $0x80, s11, s28, $0xb8;
	[tilespmem:$0x19800] =	vst v63  }
0x161: {  	_ =	swait.ge [sflag:s12], $0x2000  }
0x162: {  	[sflag:s12] =	ssyncset.done $0x0  }
0x163: {  	s25 =	simm.s32 $0x2C0;
	[sflag:s12] =	ssyncadd.s32 $0xFFFFE000  }
0x164: {  	[tilespmem:s29], [sflag:$0x2] =	stream.indirect.gather [hbm4b:s4+s28], $0x80, s25, s28, $0xb8;
	[tilespmem:$0x19800] =	vst v63  }
0x165: {  	_ =	swait.ge [sflag:s30], $0x2000  }
0x166: {  	[sflag:s30] =	ssyncset.done $0x0  }
0x167: {  	s31 =	simm.s32 $0xD00;
	[sflag:s30] =	ssyncadd.s32 $0xFFFFE000  }
0x168: {  	[spmem:s1] =	stream.indirect.scatter.add.f32 [tilespmem:s23], [sflag:$0x5], $0x80, s31, s28, $0xb8;
	[tilespmem:$0x19800] =	vst v63  }
0x169: {  	_ =	swait.ge [sflag:s0], $0x2000  }
0x16a: {  	[sflag:s0] =	ssyncset.done $0x0  }
0x16b: {  	s11 =	simm.s32 $0xD80;
	[sflag:s0] =	ssyncadd.s32 $0xFFFFE000  }
0x16c: {  	[spmem:s1] =	stream.indirect.scatter.add.f32 [tilespmem:s29], [sflag:$0x6], $0x80, s11, s28, $0xb8;
	[tilespmem:$0x19800] =	vst v63  }
0x16d: {  	_ =	swait.ge [sflag:s10], $0x2000  }
0x16e: {  	[sflag:s10] =	ssyncset.done $0x0  }
0x16f: {  	s25 =	simm.s32 $0x300;
	[sflag:s10] =	ssyncadd.s32 $0xFFFFE000  }
0x170: {  	[tilespmem:s23], [sflag:$0x1] =	stream.indirect.gather [hbm4b:s4+s28], $0x80, s25, s28, $0xb8;
	[tilespmem:$0x19800] =	vst v63  }
0x171: {  	_ =	swait.ge [sflag:s12], $0x2000  }
0x172: {  	[sflag:s12] =	ssyncset.done $0x0  }
0x173: {  	s31 =	simm.s32 $0x340;
	[sflag:s12] =	ssyncadd.s32 $0xFFFFE000  }
0x174: {  	[tilespmem:s29], [sflag:$0x2] =	stream.indirect.gather [hbm4b:s4+s28], $0x80, s31, s28, $0xb8;
	[tilespmem:$0x19800] =	vst v63  }
0x175: {  	_ =	swait.ge [sflag:s30], $0x2000  }
0x176: {  	[sflag:s30] =	ssyncset.done $0x0  }
0x177: {  	s11 =	simm.s32 $0xE00;
	[sflag:s30] =	ssyncadd.s32 $0xFFFFE000  }
0x178: {  	[spmem:s1] =	stream.indirect.scatter.add.f32 [tilespmem:s23], [sflag:$0x5], $0x80, s11, s28, $0xb8;
	[tilespmem:$0x19800] =	vst v63  }
0x179: {  	_ =	swait.ge [sflag:s0], $0x2000  }
0x17a: {  	[sflag:s0] =	ssyncset.done $0x0  }
0x17b: {  	s25 =	simm.s32 $0xE80;
	[sflag:s0] =	ssyncadd.s32 $0xFFFFE000  }
0x17c: {  	[spmem:s1] =	stream.indirect.scatter.add.f32 [tilespmem:s29], [sflag:$0x6], $0x80, s25, s28, $0xb8;
	[tilespmem:$0x19800] =	vst v63  }
0x17d: {  	_ =	swait.ge [sflag:s10], $0x2000  }
0x17e: {  	[sflag:s10] =	ssyncset.done $0x0  }
0x17f: {  	s31 =	simm.s32 $0x380;
	[sflag:s10] =	ssyncadd.s32 $0xFFFFE000  }
0x180: {  	[tilespmem:s23], [sflag:$0x1] =	stream.indirect.gather [hbm4b:s4+s28], $0x80, s31, s28, $0xb8;
	[tilespmem:$0x19800] =	vst v63  }
0x181: {  	_ =	swait.ge [sflag:s12], $0x2000  }
0x182: {  	[sflag:s12] =	ssyncset.done $0x0  }
0x183: {  	s11 =	simm.s32 $0x3C0;
	[sflag:s12] =	ssyncadd.s32 $0xFFFFE000  }
0x184: {  	[tilespmem:s29], [sflag:$0x2] =	stream.indirect.gather [hbm4b:s4+s28], $0x80, s11, s28, $0xb8;
	[tilespmem:$0x19800] =	vst v63  }
0x185: {  	_ =	swait.ge [sflag:s30], $0x2000  }
0x186: {  	[sflag:s30] =	ssyncset.done $0x0  }
0x187: {  	s25 =	simm.s32 $0xF00;
	[sflag:s30] =	ssyncadd.s32 $0xFFFFE000  }
0x188: {  	[spmem:s1] =	stream.indirect.scatter.add.f32 [tilespmem:s23], [sflag:$0x5], $0x80, s25, s28, $0xb8;
	[tilespmem:$0x19800] =	vst v63  }
0x189: {  	_ =	swait.ge [sflag:s0], $0x2000  }
0x18a: {  	[sflag:s0] =	ssyncset.done $0x0  }
0x18b: {  	s31 =	simm.s32 $0xF80;
	[sflag:s0] =	ssyncadd.s32 $0xFFFFE000  }
0x18c: {  	[spmem:s1] =	stream.indirect.scatter.add.f32 [tilespmem:s29], [sflag:$0x6], $0x80, s31, s28, $0xb8;
	[tilespmem:$0x19800] =	vst v63  }
0x18d: {  	_ =	swait.ge [sflag:s10], $0x2000  }
0x18e: {  	p0 =	slt.u32 s26, s7;
	[sflag:s10] =	ssyncset.done $0x0  }
0x18f: {  	s2 =	simm.s32 @p0 $0x4;
	[sflag:s10] =	ssyncadd.s32 $0xFFFFE000  }
0x190: {  	_ =	swait.ge @p0 [sflag:s2], $0x400  }
0x191: {  	[sflag:s2] =	ssyncset.done @p0 $0x0  }
0x192: {  	[sflag:s2] =	ssyncadd.s32 @p0 $0xFFFFFC00  }
0x193: {  	_ =	swait.ge @p0 [sflag:s2], $0x800  }
0x194: {  	s11 =	simm.s32 @p0 $0x400;
	[sflag:s2] =	ssyncset.done @p0 $0x0  }
0x195: {  	s25 =	simm.s32 @p0 $0x1800;
	[sflag:s2] =	ssyncadd.s32 @p0 $0xFFFFF800;
	s2 =	simm.s32 @p0 $0x40  }
0x196: {  	[tilespmem:s25], [sflag:$0x1] =	stream.indirect.gather @p0 [hbm4b:s4+s2], $0x80, s11, s2, $0xb8;
	[tilespmem:$0x19800] =	vst v63  }
0x197: {  	s11 =	simm.s32 @p0 $0x6  }
0x198: {  	_ =	swait.ge @p0 [sflag:s11], $0x2000  }
0x199: {  	p1 =	seq.s32 s3, $0x0;
	[sflag:s11] =	ssyncset.done @p0 $0x0  }
0x19a: {  	s25 =	simm.s32 @p0 $0x3800;
	[sflag:s11] =	ssyncadd.s32 @p0 $0xFFFFE000;
	s11 =	simm.s32 @p0 $0x440  }
0x19b: {  	[tilespmem:s25], [sflag:$0x2] =	stream.indirect.gather @p0 [hbm4b:s4+s2], $0x80, s11, s2, $0xb8;
	[tilespmem:$0x19800] =	vst v63  }
.Ltmp6:
0x19c: {  	_ = 	snop;
	(pc) =	sbr.rel @p1 .LBB2_7-.Ltmp6, $4  }
.Ltmp7:
0x19d: {  	s2 =	simm.s32 @!p0 $0x6;
	(pc) =	sbr.rel @!p1 .LBB2_6-.Ltmp7, $4  }
0x19e: {  	_ =	swait.ge @!p0 [sflag:s2], $0x2000  }
0x19f: {  	[sflag:s2] =	ssyncset.done @!p0 $0x0  }
0x1a0: {  	[sflag:s2] =	ssyncadd.s32 @!p0 $0xFFFFE000  }
0x1a1: {  	_ = 	snop  }
.LBB2_9:
0x1a2: {  	_ =	sfence.sel $0x180000  }
0x1a3: {  	[bflag:$0x0] =	sbarrier.arrive $0xFFFF  }
0x1a4: {  	_ =	strace $0x9000004A  }
0x1a5: {  	s0 =	stileid.u32;
	[bflag:$0x2] =	sbarrier.arrive $0xFFFF  }
0x1a6: {  	p0 =	sne.s32 s0, $0x0;
	s0 =	rddreg [dreg:$0x2]  }
0x1a7: {  	s0 =	sadd.s32 @!p0 $0x100000, s0  }
0x1a8: {  	[sflag:s0] =	ssyncadd.tile.s32 @!p0 $0x1;
	_ =	shalt  }
.Lfunc_end2:
_tile_overlayer_lowered:
.L_overlay_start_2:
0x1a9: {  	(tag) =	ssettag $0x2  }
0x1aa: {  	s0 =	rddreg [dreg:$0x0];
	s2 =	stileid.u32  }
0x1ab: {  	s1 =	rddreg [dreg:$0x1];
	p0 =	sne.s32 s2, $0x0  }
0x1ac: {  	s3 =	rddreg [dreg:$0x2];
	[bflag:$0x3] =	sbarrier.arrive $0xFFFF;
	s2 =	simm.s32 @!p0 $0x1C07  }
0x1ad: {  	[timem:s3], [sflag:s2] =	dma.local @!p0 [hbm:s0], s1  }
0x1ae: {  	s0 =	simm.s32 @!p0 $0x7  }
0x1af: {  	_ =	swait.ge @!p0 [sflag:s0], s1  }
0x1b0: {  	s1 =	ssub.s32 @!p0 $0x0, s1;
	[sflag:s0] =	ssyncset.done @!p0 $0x0  }
0x1b1: {  	[sflag:s0] =	ssyncadd.s32 @!p0 s1  }
0x1b2: {  	[bflag:$0x3] =	sbarrier.arrive $0xFFFF  }
0x1b3: {  	_ =	shalt  }

// kernel: kernel.8.cloned.1.call-start
scs
__scs_entry_jumppad:
0x0: {  	(pc) =	sbr.rel $0x88, $3  }
0x1: {  	(tag) =	ssettag $0x0;
	lr =	simm.s32 $0x1  }
0x2: {  	[smem:$0x3F9B] =	sst lr;
	_ =	strace $0xD0000000  }
0x3: {  	_ = 	snop  }
0x4: {  	_ = 	snop  }
0x5: {  	_ = 	snop  }
0x6: {  	_ = 	snop  }
0x7: {  	_ = 	snop  }
__scs_overlays_trampoline_lowered:
0x8: {  	[smem:$0x3FAA] =	sst s0  }
0x9: {  	[smem:$0x3FAB] =	sst s1  }
0xa: {  	[smem:$0x3FAC] =	sst s2  }
0xb: {  	[smem:$0x3FAD] =	sst s3  }
0xc: {  	[smem:$0x3FAE] =	sst s4  }
0xd: {  	[smem:$0x3FAF] =	sst s5  }
0xe: {  	[smem:$0x3FB0] =	sst s6  }
0xf: {  	[smem:$0x3FB1] =	sst s7  }
0x10: {  	[smem:$0x3FB2] =	sst s8  }
0x11: {  	[smem:$0x3FB3] =	sst s9;
	s0 =	simm.s32 @!p0 $0x0  }
0x12: {  	s1 =	sld [smem:$0x3F99];
	s0 =	simm.s32 @p0 $0x1  }
0x13: {  	[smem:$0x3FB4] =	sst s0;
	s0 =	simm.s32 @!p1 $0x0  }
0x14: {  	s2 =	sld [smem:$0x3F98];
	s0 =	simm.s32 @p1 $0x1  }
0x15: {  	[smem:$0x3FB5] =	sst s0;
	s0 =	simm.s32 @!p2 $0x0  }
0x16: {  	s3 =	sld [smem:$0x3FDB];
	s0 =	simm.s32 @p2 $0x1  }
0x17: {  	s4 =	simm.s32 $0x1BF5;
	[smem:$0x3FB7] =	sst s0  }
0x18: {  	s0 =	sld [smem:$0x3F9A];
	_ =	swait.ge [sflag:s4], $0x0  }
0x19: {  	s7 =	sld [smem:$0x3F9B]  }
0x1a: {  	s8 =	sadd.s32 $0xFFFFE003, lr  }
0x1b: {  	s9 =	sadd.s32 $0xFFFFFEF7, lr;
	s5 =	simm.s32 $0xFFFFFFFF;
	p2 =	slt.u32 s8, $0xFFFFF086  }
0x1c: {  	p1 =	slt.u32 s9, $0xF7A;
	s5 =	simm.s32 @!p2 $0x0  }
0x1d: {  	s5 =	simm.s32 @p1 $0x1;
	p0 =	seq.s32 s7, s2  }
0x1e: {  	s7 =	smul.u32 @!p0 $0xF7A, s2;
	p2 =	seq.s32 @!p0 s5, $0x0  }
0x1f: {  	s9 =	smul.u32 $0xF7A, s1;
	s8 =	simm.s32 @!p0 $0x1BF5;
	p2 =	por !p2, p0  }
0x20: {  	[sflag:s8] =	ssyncset.s32 @!p0 $0xFFFFF086;
	s6 =	sadd.s32 @!p0 s3, s7;
	s7 =	simm.s32 @!p0 $0x108  }
0x21: {  	s3 =	sadd.s32 s3, s9;
	s6 =	sadd.s32 @!p0 $0x88, s6;
	s7 =	simm.s32 @p2 $0x1082  }
0x22: {  	[simem:s7], [sflag:s8] =	dma.local @!p0 [hbm:s6], $0xF7A  }
0x23: {  	s9 =	sor.u32 $0xD0000000, s2;
	s6 =	simm.s32 $0x108;
	_ =	swait.ge @!p0 [sflag:s8], $0x0  }
0x24: {  	s3 =	sadd.s32 $0x88, s3;
	s6 =	simm.s32 @!p1 $0x1082;
	[sflag:s4] =	ssyncset.s32 $0xFFFFF086  }
0x25: {  	[simem:s6], [sflag:s4] =	dma.local [hbm:s3], $0xF7A  }
0x26: {  	[smem:$0x3F9B] =	sst s1;
	(tag) =	ssettag s2;
	_ =	strace s9  }
0x27: {  	s1 =	sld [smem:$0x3FAB]  }
0x28: {  	s2 =	sld [smem:$0x3FAC]  }
0x29: {  	s4 =	sld [smem:$0x3FAE]  }
0x2a: {  	p0 =	seq.s32 s5, $0x0;
	s5 =	sld [smem:$0x3FAF]  }
0x2b: {  	s6 =	sld [smem:$0x3FB0]  }
0x2c: {  	s7 =	sld [smem:$0x3FB1]  }
0x2d: {  	s3 =	simm.s32 $0x108;
	s8 =	sld [smem:$0x3FB2]  }
0x2e: {  	s3 =	simm.s32 @!p0 $0x1082;
	s9 =	sld [smem:$0x3FB3]  }
0x2f: {  	lr =	sadd.s32 s0, s3;
	s0 =	sld [smem:$0x3FAA]  }
0x30: {  	s3 =	sld [smem:$0x3FAD]  }
0x31: {  	[smem:$0x3FB6] =	sst s10  }
0x32: {  	s10 =	sld [smem:$0x3FB4];
	_ =	sdelay $0x3  }
0x33: {  	p0 =	seq.s32 s10, $0x1;
	s10 =	sld [smem:$0x3FB6];
	_ =	sdelay $0x3  }
0x34: {  	[smem:$0x3FB6] =	sst s10  }
0x35: {  	s10 =	sld [smem:$0x3FB5];
	_ =	sdelay $0x3  }
0x36: {  	p1 =	seq.s32 s10, $0x1;
	s10 =	sld [smem:$0x3FB6];
	_ =	sdelay $0x3  }
0x37: {  	[smem:$0x3FB6] =	sst s10  }
0x38: {  	s10 =	sld [smem:$0x3FB7]  }
0x39: {  	_ = 	snop;
	(pc) =	sbr.ind lr, $3  }
0x3a: {  	_ = 	snop  }
0x3b: {  	_ = 	snop  }
0x3c: {  	p2 =	seq.s32 s10, $0x1;
	s10 =	sld [smem:$0x3FB6]  }
0x3d: {  	_ =	shalt  }
0x3e: {  	_ =	shalt  }
0x3f: {  	_ =	shalt  }
0x40: {  	_ =	shalt  }
0x41: {  	_ =	shalt  }
0x42: {  	_ =	shalt  }
0x43: {  	_ =	shalt  }
0x44: {  	_ =	shalt  }
0x45: {  	_ =	shalt  }
0x46: {  	_ =	shalt  }
0x47: {  	_ =	shalt  }
0x48: {  	_ =	shalt  }
0x49: {  	_ =	shalt  }
0x4a: {  	_ =	shalt  }
0x4b: {  	_ =	shalt  }
0x4c: {  	_ =	shalt  }
0x4d: {  	_ =	shalt  }
0x4e: {  	_ =	shalt  }
0x4f: {  	_ =	shalt  }
0x50: {  	_ =	shalt  }
0x51: {  	_ =	shalt  }
0x52: {  	_ =	shalt  }
0x53: {  	_ =	shalt  }
0x54: {  	_ =	shalt  }
0x55: {  	_ =	shalt  }
0x56: {  	_ =	shalt  }
0x57: {  	_ =	shalt  }
0x58: {  	_ =	shalt  }
0x59: {  	_ =	shalt  }
0x5a: {  	_ =	shalt  }
0x5b: {  	_ =	shalt  }
0x5c: {  	_ =	shalt  }
0x5d: {  	_ =	shalt  }
0x5e: {  	_ =	shalt  }
0x5f: {  	_ =	shalt  }
0x60: {  	_ =	shalt  }
0x61: {  	_ =	shalt  }
0x62: {  	_ =	shalt  }
0x63: {  	_ =	shalt  }
0x64: {  	_ =	shalt  }
0x65: {  	_ =	shalt  }
0x66: {  	_ =	shalt  }
0x67: {  	_ =	shalt  }
0x68: {  	_ =	shalt  }
0x69: {  	_ =	shalt  }
0x6a: {  	_ =	shalt  }
0x6b: {  	_ =	shalt  }
0x6c: {  	_ =	shalt  }
0x6d: {  	_ =	shalt  }
0x6e: {  	_ =	shalt  }
0x6f: {  	_ =	shalt  }
0x70: {  	_ =	shalt  }
0x71: {  	_ =	shalt  }
0x72: {  	_ =	shalt  }
0x73: {  	_ =	shalt  }
0x74: {  	_ =	shalt  }
0x75: {  	_ =	shalt  }
0x76: {  	_ =	shalt  }
0x77: {  	_ =	shalt  }
0x78: {  	_ =	shalt  }
0x79: {  	_ =	shalt  }
0x7a: {  	_ =	shalt  }
0x7b: {  	_ =	shalt  }
0x7c: {  	_ =	shalt  }
0x7d: {  	_ =	shalt  }
0x7e: {  	_ =	shalt  }
0x7f: {  	_ =	shalt  }
0x80: {  	_ =	shalt  }
0x81: {  	_ =	shalt  }
0x82: {  	_ =	shalt  }
0x83: {  	_ =	shalt  }
0x84: {  	_ =	shalt  }
0x85: {  	_ =	shalt  }
0x86: {  	_ =	shalt  }
0x87: {  	_ =	shalt  }
.Lfunc_end0:
.L_simem_size_0:
called_computation_lowered:
.L_overlay_start_0:
0x88: {  	s2 =	sld [smem:$0x3FD9]  }
0x89: {  	s3 =	sld [smem:$0x3FFE];
	_ =	sdelay $0x1  }
0x8a: {  	s1 =	srdreg.scid  }
0x8b: {  	s0 =	sand.u32 $0x1, s1  }
0x8c: {  	s17 =	sshll.u32 s0, $0xA;
	s2 =	sadd.s32 s3, s2  }
0x8d: {  	s2 =	sadd.s32 s2, s17  }
0x8e: {  	[smem:$0x3FC2] =	sst s2  }
0x8f: {  	_ = 	snop  }
0x90: {  	s2 =	sld [smem:$0x3FD0];
	(tm) =	ssettm $0x1  }
0x91: {  	s18 =	sld [smem:$0x3FFB];
	_ =	sdelay $0x3  }
0x92: {  	_ =	strace s18  }
0x93: {  	s3 =	sld [smem:$0x3FFC];
	_ =	sdelay $0x3  }
0x94: {  	_ =	strace s3  }
0x95: {  	s3 =	sld [smem:$0x3FFD];
	_ =	sdelay $0x3  }
0x96: {  	_ =	strace s3  }
0x97: {  	_ =	strace $0x8FFFFFFF  }
0x98: {  	s19 =	sld [smem:$0x3FDB];
	_ =	sdelay $0x1  }
0x99: {  	s4 =	simm.s32 $_scs_section_size  }
0x9a: {  	s5 =	simm.s32 $_size__tile_overlayer_lowered;
	s6 =	simm.s32 $_tile_overlayer_lowered  }
0x9b: {  	s22 =	simm.s32 $0x1BFF;
	s21 =	sshll.u32 s6, $0x1;
	s3 =	sadd.s32 s4, s19  }
0x9c: {  	s7 =	simm.s32 $0x0;
	s20 =	sshll.u32 s5, $0x1;
	s5 =	sadd.s32 s21, s3  }
0x9d: {  	[timem:s7], [sflag:s22] =	dma.local [hbm:s5], s20  }
0x9e: {  	_ =	swait.ge [sflag:s22], s20  }
0x9f: {  	s4 =	ssub.s32 $0x0, s20;
	[sflag:s22] =	ssyncset.done $0x0  }
0xa0: {  	[sflag:s22] =	ssyncadd.s32 s4;
	_ =	sdelay $0x1  }
0xa1: {  	s23 =	simm.s32 $0x1B8B  }
0xa2: {  	_ =	swait.ge [sflag:s23], $0x1  }
0xa3: {  	[sflag:s23] =	ssyncset.done $0x0  }
0xa4: {  	s25 =	simm.s32 $0x1B8E;
	s24 =	sld [smem:$0x3FFE];
	[sflag:s23] =	ssyncadd.s32 $0xFFFFFFFF  }
0xa5: {  	s26 =	simm.s32 $execute0_lowered;
	[smem:$0x3FD2] =	sst s25  }
0xa6: {  	s5 =	sshll.u32 s26, $0x1;
	_ =	strace $0x80000046;
	[dreg:$0x1] =	wrdreg $0xFFFFFFFF  }
0xa7: {  	s28 =	simm.s32 $_size_execute0_lowered;
	s3 =	sadd.s32 s3, s5;
	[dreg:$0x0] =	wrdreg $0x0  }
0xa8: {  	s5 =	sshll.u32 s28, $0x1;
	[dreg:$0x2] =	wrdreg s3  }
0xa9: {  	[dreg:$0x3] =	wrdreg s5  }
0xaa: {  	[dreg:$0x4] =	wrdreg $0xC0  }
0xab: {  	_ =	task [dreg:s7], $0x5FFFF  }
0xac: {  	[dreg:$0x1] =	wrdreg $0xFFFFFFFF  }
0xad: {  	[dreg:$0x0] =	wrdreg $0x60  }
0xae: {  	[dreg:$0x2] =	wrdreg s2  }
0xaf: {  	[dreg:$0x3] =	wrdreg s24  }
0xb0: {  	[dreg:$0x4] =	wrdreg $0x9  }
0xb1: {  	_ =	task.clear_ibuf [dreg:s7], $0x5FFFF;
	_ =	strace $0x90000046  }
0xb2: {  	s29 =	simm.s32 $0x9;
	_ =	strace $0x80000048  }
0xb3: {  	_ =	swait.ge [sflag:s29], $0x1  }
0xb4: {  	[sflag:s29] =	ssyncadd.s32 $0xFFFFFFFF  }
0xb5: {  	_ =	strace $0x90000048  }
0xb6: {  	_ =	sfence  }
0xb7: {  	s30 =	sld [smem:$0x0];
	_ =	sdelay $0x2  }
0xb8: {  	s31 =	sshll.u32 s1, $0xD;
	s1 =	sshrl.u32 s1, $0x2  }
0xb9: {  	s3 =	sand.u32 $0x4000, s31;
	s1 =	sadd.s32 s1, s30  }
0xba: {  	s0 =	sor.u32 s3, s0;
	s1 =	sshll.u32 s1, $0x11  }
0xbb: {  	s0 =	sor.u32 s1, s0  }
0xbc: {  	s0 =	sadd.s32 $0x8F2B, s0  }
0xbd: {  	[sflag:s0] =	ssyncadd.remote.s32 $0x1  }
0xbe: {  	_ =	sfence.sel $0xFFFF  }
0xbf: {  	[dreg:$0x0] =	wrdreg $0xFFFFFFFF;
	(pc) =	sbr.abs _section_cstart, $3  }
0xc0: {  	[dreg:$0x1] =	wrdreg $0xFFFFFFFF  }
0xc1: {  	_ =	task.clear_ibuf [dreg:s7], $0x2FFFF;
	_ =	strace $0x9FFFFFFF  }
0xc2: {  	(tm) =	ssettm $0x7FFFFFFF  }
0xc3: {  	_ =	shalt  }
tec
execute0_lowered:
.L_overlay_start_1:
0x0: {  	(tag) =	ssettag $0x1  }
0x1: {  	s0 =	srdreg.scid  }
0x2: {  	s4 =	sand.u32 $0x1, s0  }
0x3: {  	s2 =	rddreg [dreg:$0x0];
	s0 =	stileid.u32;
	s1 =	sshll.u32 s4, $0x4  }
0x4: {  	s6 =	rddreg [dreg:$0x1];
	s5 =	sor.u32 s0, s1  }
0x5: {  	s3 =	simm.s32 $0x0;
	s9 =	simm.s32 $0x80;
	s1 =	sshrl.u32 s5, $0x3  }
0x6: {  	s8 =	sshll.u32 s0, $0x7;
	s4 =	ssub.s32 $0x2, s4;
	s7 =	smul.u32 $0x14000, s1  }
0x7: {  	s10 =	simm.s32 $0x400;
	s8 =	sand.u32 $0x380, s8;
	s30 =	sshrl.u32 s4, $0x1  }
0x8: {  	[smem:$0x7FF] =	sst s3;
	s31 =	ssub.s32 s4, s30;
	s7 =	sor.u32 s8, s7  }
0x9: {  	s4 =	smul.u32 $0x5000, s5;
	s1 =	rddreg [dreg:$0x2];
	s7 =	sshrl.u32 s7, $0x3  }
0xa: {  	_ =	strace $0x80000047;
	s8 =	simm.s32 $0x800;
	s6 =	sadd.s32 s7, s6  }
0xb: {  	v0 =	vimm.f32 $0.0e+00;
	v1 =	vimm.f32 $1.000000000e+00;
	s7 =	simm.s32 $0x1;
	s5 =	sadd.s32 $0x1A00, s6;
	s6 =	smax.u32 s31, $0x1  }
.LBB2_1:
0xc: {  	s11 =	simm.s32 $0x40;
	s12 =	simm.s32 $0x0  }
.LBB2_2:
0xd: {  	p0 =	sne.s32 s11, $0x9FC0;
	[tilespmem:s12+$0x800] =	vst v0;
	s12 =	smov.u32 s11;
	s11 =	sadd.s32 $0x40, s11  }
.Ltmp0:
0xe: {  	(pc) =	sbr.rel @p0 .LBB2_2-.Ltmp0, $2  }
0xf: {  	_ =	sdelay $0x2  }
0x10: {  	s12 =	sshra.s32 s12, $0x2  }
0x11: {  	[tilespmem:s12+$0x800] =	vst v0;
	s11 =	simm.s32 $0x0;
	s12 =	simm.s32 $0x0  }
.LBB2_4:
0x12: {  	s13 =	sshll.u32 s12, $0xB  }
0x13: {  	s13 =	sadd.s32 s4, s13  }
0x14: {  	s13 =	sshrl.u32 s13, $0x3  }
0x15: {  	s13 =	sadd.s32 s2, s13  }
0x16: {  	[tilespmem:s11], [sflag:$0x1] =	stream.linear.gather [hbm4b:s13+s11], $0x800, $0x38;
	[tilespmem:$0x3000] =	vst v63  }
0x17: {  	_ =	swait.ge [sflag:s7], $0x800  }
0x18: {  	[sflag:s7] =	ssyncset.done $0x0  }
0x19: {  	s13 =	simm.s32 $0x0;
	[sflag:s7] =	ssyncadd.s32 $0xFFFFF800  }
.LBB2_5:
0x1a: {  	s14 =	sshra.s32 s13, $0x2  }
0x1b: {  	v2 =	vld [tilespmem:s14+$0x0];
	_ =	sdelay $0x7  }
0x1c: {  	[tilespmem:v2+s8+$0x0] =	vst.idx.add.f32.msk $0xffff, v1  }
0x1d: {  	v2 =	vld [tilespmem:s14+$0x10];
	_ =	sdelay $0x7  }
0x1e: {  	[tilespmem:v2+s8+$0x0] =	vst.idx.add.f32.msk $0xffff, v1  }
0x1f: {  	v2 =	vld [tilespmem:s14+$0x20];
	_ =	sdelay $0x7  }
0x20: {  	[tilespmem:v2+s8+$0x0] =	vst.idx.add.f32.msk $0xffff, v1  }
0x21: {  	v2 =	vld [tilespmem:s14+$0x30];
	_ =	sdelay $0x2  }
0x22: {  	p0 =	sne.s32 s13, $0x1E00  }
.Ltmp1:
0x23: {  	_ = 	snop;
	(pc) =	sbr.rel @p0 .LBB2_5-.Ltmp1, $2  }
0x24: {  	_ =	sdelay $0x2  }
0x25: {  	s13 =	sadd.s32 $0x200, s13;
	[tilespmem:v2+s8+$0x0] =	vst.idx.add.f32.msk $0xffff, v1  }
0x26: {  	s12 =	sadd.s32 $0x1, s12  }
0x27: {  	p0 =	sne.s32 s12, $0xA  }
.Ltmp2:
0x28: {  	_ = 	snop;
	(pc) =	sbr.rel @p0 .LBB2_4-.Ltmp2, $1  }
0x29: {  	_ =	sdelay $0x3  }
0x2a: {  	s3 =	sadd.s32 $0x1, s3  }
0x2b: {  	p0 =	sne.s32 s3, s6  }
.Ltmp3:
0x2c: {  	_ = 	snop;
	(pc) =	sbr.rel @p0 .LBB2_1-.Ltmp3, $4  }
0x2d: {  	[hbm4b:s5+s9] =	stream.strided.scatter [tilespmem:s8], [sflag:$0x1], $0x2800, s10, s9, $0x38;
	[tilespmem:$0x3000] =	vst v63  }
0x2e: {  	_ =	swait.ge [sflag:s7], $0x2800  }
0x2f: {  	[sflag:s7] =	ssyncset.done $0x0  }
0x30: {  	[sflag:s7] =	ssyncadd.s32 $0xFFFFD800  }
0x31: {  	_ =	sfence.sel $0x180000  }
0x32: {  	[bflag:$0x0] =	sbarrier.arrive $0xFFFF  }
0x33: {  	p0 =	sne.s32 s0, $0x0;
	_ =	strace $0x90000047  }
0x34: {  	s0 =	sadd.s32 @!p0 $0x100000, s1;
	[bflag:$0x2] =	sbarrier.arrive $0xFFFF  }
0x35: {  	[sflag:s0] =	ssyncadd.tile.s32 @!p0 $0x1;
	_ =	shalt  }
.Lfunc_end2:
_tile_overlayer_lowered:
.L_overlay_start_2:
0x36: {  	(tag) =	ssettag $0x2  }
0x37: {  	s0 =	rddreg [dreg:$0x0];
	s2 =	stileid.u32  }
0x38: {  	s1 =	rddreg [dreg:$0x1];
	p0 =	sne.s32 s2, $0x0  }
0x39: {  	s3 =	rddreg [dreg:$0x2];
	[bflag:$0x3] =	sbarrier.arrive $0xFFFF;
	s2 =	simm.s32 @!p0 $0x1C01  }
0x3a: {  	[timem:s3], [sflag:s2] =	dma.local @!p0 [hbm:s0], s1  }
0x3b: {  	s0 =	simm.s32 @!p0 $0x1  }
0x3c: {  	_ =	swait.ge @!p0 [sflag:s0], s1  }
0x3d: {  	s1 =	ssub.s32 @!p0 $0x0, s1;
	[sflag:s0] =	ssyncset.done @!p0 $0x0  }
0x3e: {  	[sflag:s0] =	ssyncadd.s32 @!p0 s1  }
0x3f: {  	[bflag:$0x3] =	sbarrier.arrive $0xFFFF  }
0x40: {  	_ =	shalt  }

</sc_bundles>
